<compile_context>
chip_gen: v7x
topology: tpu7x:2x2x1
jax: 0.10.2.dev20260603
libtpu: 0.0.44.dev20260713+nightly
codegen_flags: <defaults>
</compile_context>

<pallas_src>
import functools

import jax
import jax.numpy as jnp
from jax import lax
from jax.experimental import pallas as pl
from jax.experimental.pallas import tpu as pltpu
from jax.experimental.pallas import tpu_sc as plsc

N = 10000
D = 128
E = 320000
NP = 10240
EP = 327680
ROWS = EP // 128
NC, NS = 2, 16
RPT = ROWS // NS
CH = 40
NPT = NP // NS
NB = 512
GB = NP // NB

_mesh = plsc.VectorSubcoreMesh(
    core_axis_name="c", subcore_axis_name="s", num_cores=NC, num_subcores=NS)


def _leaky(x):
    return jnp.where(x >= 0, x, 0.01 * x)


DL = 128


@functools.partial(
    pl.kernel,
    out_type=jax.ShapeDtypeStruct((NC, NP, DL), jnp.float32),
    mesh=_mesh,
    scratch_types=[
        pltpu.VMEM_SHARED((NP, DL), jnp.float32),
        pltpu.VMEM((CH, 128), jnp.int32),
        pltpu.VMEM((128, DL), jnp.float32),
    ],
)
def _deg_kernel(dsts, ones_hbm, zdeg_hbm, deg_out, deg_sp, dst_i, ones_v):
    c = lax.axis_index("c")
    s = lax.axis_index("s")
    pltpu.sync_copy(zdeg_hbm.at[pl.ds(s * NPT, NPT)],
                    deg_sp.at[pl.ds(s * NPT, NPT)])
    pltpu.sync_copy(ones_hbm, ones_v)
    plsc.subcore_barrier()

    def chunk(b, carry):
        base = s * RPT + b * CH
        pltpu.sync_copy(dsts.at[c, pl.ds(base, CH)], dst_i)

        def body(j, inner):
            pltpu.sync_copy(ones_v, deg_sp.at[dst_i.at[j]], add=True)
            return inner

        lax.fori_loop(0, CH, body, 0)
        return carry

    lax.fori_loop(0, RPT // CH, chunk, 0)
    plsc.subcore_barrier()
    pltpu.sync_copy(deg_sp.at[pl.ds(s * NPT, NPT)],
                    deg_out.at[c, pl.ds(s * NPT, NPT)])


@functools.partial(
    pl.kernel,
    out_type=jax.ShapeDtypeStruct((NC, NP, D), jnp.float32),
    mesh=_mesh,
    scratch_types=[
        pltpu.VMEM_SHARED((NP, D), jnp.float32),
        pltpu.VMEM((CH, 128), jnp.int32),
        pltpu.VMEM((CH, 128), jnp.int32),
        pltpu.VMEM((128, D), jnp.float32),
        pltpu.VMEM((128, D), jnp.float32),
        pltpu.SemaphoreType.DMA,
        pltpu.SemaphoreType.DMA,
        pltpu.SemaphoreType.DMA,
        pltpu.SemaphoreType.DMA,
    ],
)
def _scatter_kernel(gflat, srcs, dsts, s_out, s_sp, src_i, dst_i,
                    rows0, rows1, s0a, s0b, s1a, s1b):
    c = lax.axis_index("c")
    s = lax.axis_index("s")
    bufs = (rows0, rows1)
    sems = ((s0a, s0b), (s1a, s1b))
    dummy = gflat.at[pl.ds(0, 128)]

    pltpu.sync_copy(gflat.at[pl.ds(c * NP + s * NPT, NPT)],
                    s_sp.at[pl.ds(s * NPT, NPT)])
    plsc.subcore_barrier()

    def stage(ci):
        base = s * RPT + ci * CH
        pltpu.sync_copy(srcs.at[c, pl.ds(base, CH)], src_i)
        pltpu.sync_copy(dsts.at[c, pl.ds(base, CH)], dst_i)

    def fire(j, b):
        pltpu.async_copy(gflat.at[src_i.at[j]], bufs[b], sems[b][0])

    def drain_scatter(j, b):
        pltpu.make_async_copy(dummy, bufs[b], sems[b][0]).wait()
        pltpu.sync_copy(bufs[b], s_sp.at[dst_i.at[j]], add=True)

    def pair(i, inner):
        j = 2 * i
        fire(j + 1, 1)
        drain_scatter(j, 0)
        fire(j + 2, 0)
        drain_scatter(j + 1, 1)
        return inner

    stage(0)
    fire(0, 0)
    for b in range(RPT // CH):
        lax.fori_loop(0, CH // 2 - 1, pair, 0)
        fire(CH - 1, 1)
        drain_scatter(CH - 2, 0)
        drain_scatter(CH - 1, 1)
        if b < RPT // CH - 1:
            stage(b + 1)
            fire(0, 0)

    plsc.subcore_barrier()
    pltpu.sync_copy(s_sp.at[pl.ds(s * NPT, NPT)],
                    s_out.at[c, pl.ds(s * NPT, NPT)])


def _gmat_body(x_ref, w_ref, deg_ref, g_ref):
    deg = deg_ref[0][:, :1]
    dis = lax.rsqrt(deg + 1.0)
    h = jnp.dot(x_ref[0], w_ref[0], preferred_element_type=jnp.float32)
    g_ref[0] = h * dis


_gmat = pl.pallas_call(
    _gmat_body,
    grid=(NC, GB),
    in_specs=[
        pl.BlockSpec((1, NB, D), lambda g, i: (g, i, 0)),
        pl.BlockSpec((1, D, D), lambda g, i: (g, 0, 0)),
        pl.BlockSpec((1, NB, DL), lambda g, i: (g, i, 0)),
    ],
    out_specs=pl.BlockSpec((1, NB, D), lambda g, i: (g, i, 0)),
    out_shape=jax.ShapeDtypeStruct((NC, NP, D), jnp.float32),
    compiler_params=pltpu.CompilerParams(
        dimension_semantics=("arbitrary", "arbitrary")),
)


def _head_body(s_ref, deg_ref, b_ref, wp_ref, bp_ref, wf1_ref, bf1_ref,
               wf2_ref, bf2_ref, wo_ref, bo_ref, out_ref, acc_ref):
    i = pl.program_id(0)
    rem = N - i * NB
    mask = lax.broadcasted_iota(jnp.int32, (NB, D), 0) < rem
    reds = []
    for g in (0, 1):
        deg = deg_ref[g][:, :1]
        dis = lax.rsqrt(deg + 1.0)
        v = _leaky(dis * s_ref[g] + b_ref[g])
        v = jnp.where(mask, v, 0.0)
        reds.append(jnp.sum(v, axis=0, keepdims=True))

    @pl.when(i == 0)
    def _():
        acc_ref[0:1] = reds[0]
        acc_ref[1:2] = reds[1]

    @pl.when(i > 0)
    def _():
        acc_ref[0:1] += reds[0]
        acc_ref[1:2] += reds[1]

    @pl.when(i == GB - 1)
    def _():
        m1 = acc_ref[0:1] * (1.0 / N)
        m2 = acc_ref[1:2] * (1.0 / N)
        h1 = _leaky(jnp.dot(m1, wp_ref[0], preferred_element_type=jnp.float32)
                    + bp_ref[0])
        h2 = _leaky(jnp.dot(m2, wp_ref[1], preferred_element_type=jnp.float32)
                    + bp_ref[1])
        t = _leaky(jnp.dot(h1, wf1_ref[:D], preferred_element_type=jnp.float32)
                   + jnp.dot(h2, wf1_ref[D:], preferred_element_type=jnp.float32)
                   + bf1_ref[...])
        t = _leaky(jnp.dot(t, wf2_ref[...], preferred_element_type=jnp.float32)
                   + bf2_ref[...])
        o = jnp.dot(t, wo_ref[...], preferred_element_type=jnp.float32) + bo_ref[...]
        out_ref[...] = jax.nn.sigmoid(o)


_head = pl.pallas_call(
    _head_body,
    grid=(GB,),
    in_specs=[
        pl.BlockSpec((NC, NB, D), lambda i: (0, i, 0)),
        pl.BlockSpec((NC, NB, DL), lambda i: (0, i, 0)),
        pl.BlockSpec((NC, 1, D), lambda i: (0, 0, 0)),
        pl.BlockSpec((NC, D, D), lambda i: (0, 0, 0)),
        pl.BlockSpec((NC, 1, D), lambda i: (0, 0, 0)),
        pl.BlockSpec((2 * D, 256), lambda i: (0, 0)),
        pl.BlockSpec((1, 256), lambda i: (0, 0)),
        pl.BlockSpec((256, 64), lambda i: (0, 0)),
        pl.BlockSpec((1, 64), lambda i: (0, 0)),
        pl.BlockSpec((64, 1), lambda i: (0, 0)),
        pl.BlockSpec((1, 1), lambda i: (0, 0)),
    ],
    out_specs=pl.BlockSpec((1, 1), lambda i: (0, 0)),
    out_shape=jax.ShapeDtypeStruct((1, 1), jnp.float32),
    scratch_shapes=[pltpu.VMEM((2, D), jnp.float32)],
    compiler_params=pltpu.CompilerParams(
        dimension_semantics=("arbitrary",)),
)


def kernel(x1, edge_index1, x2, edge_index2, W1, b1, W2, b2, Wp1, bp1,
           Wp2, bp2, Wf1, bf1, Wf2, bf2, Wo, bo):
    pad = EP - E
    pad_src = (jnp.arange(pad, dtype=jnp.int32) % 128)
    pad_dst = N + (jnp.arange(pad, dtype=jnp.int32) % (NP - N))
    srcs = jnp.stack([
        jnp.concatenate([edge_index1[0], pad_src]),
        jnp.concatenate([edge_index2[0], pad_src]) + NP,
    ]).reshape(NC, ROWS, 128)
    dsts = jnp.stack([
        jnp.concatenate([edge_index1[1], pad_dst]),
        jnp.concatenate([edge_index2[1], pad_dst]),
    ]).reshape(NC, ROWS, 128)

    x_st = jnp.zeros((NC, NP, D), jnp.float32)
    x_st = x_st.at[0, :N].set(x1).at[1, :N].set(x2)
    w_st = jnp.stack([W1, W2])

    ones_hbm = jnp.ones((128, DL), jnp.float32)
    zdeg_hbm = jnp.zeros((NP, DL), jnp.float32)

    deg2d = _deg_kernel(dsts, ones_hbm, zdeg_hbm)
    gmat = _gmat(x_st, w_st, deg2d)
    smat = _scatter_kernel(gmat.reshape(NC * NP, D), srcs, dsts)

    b_st = jnp.stack([b1, b2]).reshape(NC, 1, D)
    wp_st = jnp.stack([Wp1, Wp2])
    bp_st = jnp.stack([bp1, bp2]).reshape(NC, 1, D)
    return _head(smat, deg2d, b_st, wp_st, bp_st, Wf1, bf1.reshape(1, 256),
                 Wf2, bf2.reshape(1, 64), Wo, bo.reshape(1, 1))

# --- scband reference (transcript-rebuilt; emitter-appended) ---
"""Pipeline reference for scband-gcnn-85409719648958 (READ-ONLY COPY).

The authoritative reference and input builder live on the scoring server;
editing this copy changes nothing except your own understanding.
"""

import jax, jax.numpy as jnp
import numpy as np


def leaky(x):
    return jax.nn.leaky_relu(x, 0.01)


def gcn_conv(x, edge_index, W, b):
    # Faithful PyG GCNConv: add self-loops, symmetric normalization, x @ W, scatter-add, + bias
    N = x.shape[0]
    loop = jnp.arange(N, dtype=edge_index.dtype)
    src = jnp.concatenate([edge_index[0], loop])
    dst = jnp.concatenate([edge_index[1], loop])
    h = x @ W
    deg = jnp.zeros((N,), dtype=x.dtype).at[dst].add(1.0)
    dis = jnp.where(deg > 0, jax.lax.rsqrt(deg), 0.0)
    norm = dis[src] * dis[dst]
    out = jnp.zeros_like(h).at[dst].add(h[src] * norm[:, None])
    return out + b


def setup_inputs(seed: int = 0) -> dict:
    key = jax.random.key(seed)
    ks = jax.random.split(key, 24)
    N, E, D, OD = 10000, 320000, 128, 128
    inp = {}
    inp['x1'] = jax.random.normal(ks[0], (N, D), dtype=jnp.float32)
    inp['edge_index1'] = jax.random.randint(ks[1], (2, E), 0, N, dtype=jnp.int32)
    inp['x2'] = jax.random.normal(ks[2], (N, D), dtype=jnp.float32)
    inp['edge_index2'] = jax.random.randint(ks[3], (2, E), 0, N, dtype=jnp.int32)
    # GCNConv weights (lin has no bias in PyG; conv bias added after aggregation)
    inp['W1'] = jax.random.normal(ks[4], (D, D), jnp.float32) * (1.0 / np.sqrt(D))
    inp['b1'] = jnp.zeros((D,), jnp.float32)
    inp['W2'] = jax.random.normal(ks[5], (D, D), jnp.float32) * (1.0 / np.sqrt(D))
    inp['b2'] = jnp.zeros((D,), jnp.float32)
    # pro1_fc1 / pro2_fc1: Linear(D, OD)
    inp['Wp1'] = jax.random.normal(ks[6], (D, OD), jnp.float32) * (1.0 / np.sqrt(D))
    inp['bp1'] = jnp.zeros((OD,), jnp.float32)
    inp['Wp2'] = jax.random.normal(ks[7], (D, OD), jnp.float32) * (1.0 / np.sqrt(D))
    inp['bp2'] = jnp.zeros((OD,), jnp.float32)
    # fc1: Linear(2*OD, 256); fc2: Linear(256, 64); out: Linear(64, 1)
    inp['Wf1'] = jax.random.normal(ks[8], (2 * OD, 256), jnp.float32) * (1.0 / np.sqrt(2 * OD))
    inp['bf1'] = jnp.zeros((256,), jnp.float32)
    inp['Wf2'] = jax.random.normal(ks[9], (256, 64), jnp.float32) * (1.0 / np.sqrt(256))
    inp['bf2'] = jnp.zeros((64,), jnp.float32)
    inp['Wo'] = jax.random.normal(ks[10], (64, 1), jnp.float32) * (1.0 / np.sqrt(64))
    inp['bo'] = jnp.zeros((1,), jnp.float32)
    return inp


def reference(x1, edge_index1, x2, edge_index2, W1, b1, W2, b2, Wp1, bp1, Wp2, bp2, Wf1, bf1, Wf2, bf2, Wo, bo):
    # batch_size = 1; dropout is identity in eval mode
    h1 = leaky(gcn_conv(x1, edge_index1, W1, b1))
    h1 = jnp.mean(h1, axis=0, keepdims=True)
    h1 = leaky(h1 @ Wp1 + bp1)
    h2 = leaky(gcn_conv(x2, edge_index2, W2, b2))
    h2 = jnp.mean(h2, axis=0, keepdims=True)
    h2 = leaky(h2 @ Wp2 + bp2)
    xc = jnp.concatenate([h1, h2], axis=1)
    xc = leaky(xc @ Wf1 + bf1)
    xc = leaky(xc @ Wf2 + bf2)
    out = jax.nn.sigmoid(xc @ Wo + bo)
    return out

if __name__ == "__main__":
    import jax
    _d = setup_inputs()
    print(jax.jit(kernel)(*tuple(_d.values())))

</pallas_src>

<mosaic_0001>
#map = affine_map<(d0, d1) -> (0, 0)>
#map1 = affine_map<(d0, d1) -> (0, 0, 0)>
module attributes {stable_mosaic.version = 14 : i64} {
  func.func @_scatter_kernel(%arg0: i32, %arg1: i32, %arg2: memref<20480x128xf32, #tpu.memory_space<hbm>>, %arg3: memref<2x2560x128xi32, #tpu.memory_space<hbm>>, %arg4: memref<2x2560x128xi32, #tpu.memory_space<hbm>>, %arg5: memref<2x10240x128xf32, #tpu.memory_space<hbm>>, %arg6: memref<10240x128xf32, #tpu.memory_space<vmem_shared>>, %arg7: memref<40x128xi32, #tpu.memory_space<vmem>>, %arg8: memref<40x128xi32, #tpu.memory_space<vmem>>, %arg9: memref<128x128xf32, #tpu.memory_space<vmem>>, %arg10: memref<128x128xf32, #tpu.memory_space<vmem>>, %arg11: memref<!tpu.dma_semaphore, #tpu.memory_space<semaphore_mem>>, %arg12: memref<!tpu.dma_semaphore, #tpu.memory_space<semaphore_mem>>, %arg13: memref<!tpu.dma_semaphore, #tpu.memory_space<semaphore_mem>>, %arg14: memref<!tpu.dma_semaphore, #tpu.memory_space<semaphore_mem>>) attributes {dimension_semantics = [#tpu.dimension_semantics<core_parallel>, #tpu.dimension_semantics<subcore_parallel>], iteration_bounds = array<i64: 2, 16>, scalar_prefetch = 0 : i64, scratch_operands = 9 : i64, tpu.core_type = #tpu.core_type<sc_vector_subcore>, window_params = [{transform_indices = #map}, {transform_indices = #map1}, {transform_indices = #map1}, {transform_indices = #map1}]} {
    %mul3A = arith.constant 10240 : i32
    %mul3A_0 = arith.muli %arg0, %mul3A : i32
    %mul3A_1 = arith.constant 640 : i32
    %mul3A_2 = arith.muli %arg1, %mul3A_1 : i32
    %add3A = arith.addi %mul3A_0, %mul3A_2 : i32
    %mul3A_3 = arith.constant 640 : i32
    %mul3A_4 = arith.muli %arg1, %mul3A_3 : i32
    "tpu.region"() ({
      %run_scoped3A_158 = tpu.sem_alloc : memref<!tpu.dma_semaphore, #tpu.memory_space<semaphore_mem>>
      %dma_start3A_159 = arith.constant 0 : i32
      %dma_start3A_160 = tpu.memref_slice %arg6[%mul3A_4, %dma_start3A_159] : memref<10240x128xf32, #tpu.memory_space<vmem_shared>> -> memref<640x128xf32, #tpu.memory_space<vmem_shared>>
      %dma_start3A_161 = arith.constant 0 : i32
      %dma_start3A_162 = tpu.memref_slice %arg2[%add3A, %dma_start3A_161] : memref<20480x128xf32, #tpu.memory_space<hbm>> -> memref<640x128xf32, #tpu.memory_space<hbm>>
      tpu.enqueue_dma source(%dma_start3A_162 : memref<640x128xf32, #tpu.memory_space<hbm>>) target(%dma_start3A_160 : memref<640x128xf32, #tpu.memory_space<vmem_shared>>) target_semaphore(%run_scoped3A_158 : memref<!tpu.dma_semaphore, #tpu.memory_space<semaphore_mem>>)
      %dma_wait3A_163 = arith.constant 0 : i32
      %dma_wait3A_164 = tpu.memref_slice %arg6[%mul3A_4, %dma_wait3A_163] : memref<10240x128xf32, #tpu.memory_space<vmem_shared>> -> memref<640x128xf32, #tpu.memory_space<vmem_shared>>
      %dma_wait3A_165 = arith.constant 0 : i32
      %dma_wait3A_166 = tpu.memref_slice %arg2[%add3A, %dma_wait3A_165] : memref<20480x128xf32, #tpu.memory_space<hbm>> -> memref<640x128xf32, #tpu.memory_space<hbm>>
      tpu.wait_dma2 semaphore(%run_scoped3A_158 : memref<!tpu.dma_semaphore, #tpu.memory_space<semaphore_mem>>) src(%dma_wait3A_166 : memref<640x128xf32, #tpu.memory_space<hbm>>) dst(%dma_wait3A_164 : memref<640x128xf32, #tpu.memory_space<vmem_shared>>)
      tpu.yield
    }) : () -> ()
    %barrier3A = arith.constant 0 : index
    tpu.barrier barrier_id(%barrier3A)
    %mul3A_5 = arith.constant 160 : i32
    %mul3A_6 = arith.muli %arg1, %mul3A_5 : i32
    %add3A_7 = arith.constant 0 : i32
    %add3A_8 = arith.addi %mul3A_6, %add3A_7 : i32
    "tpu.region"() ({
      %run_scoped3A_158 = tpu.sem_alloc : memref<!tpu.dma_semaphore, #tpu.memory_space<semaphore_mem>>
      %dma_start3A_159 = arith.constant 0 : i32
      %dma_start3A_160 = tpu.memref_slice %arg3[%arg0, %add3A_8, %dma_start3A_159] : memref<2x2560x128xi32, #tpu.memory_space<hbm>> -> memref<1x40x128xi32, #tpu.memory_space<hbm>>
      %dma_start3A_161 = tpu.memref_squeeze %dma_start3A_160 : memref<1x40x128xi32, #tpu.memory_space<hbm>> -> memref<40x128xi32, #tpu.memory_space<hbm>>
      %dma_start3A_162 = arith.constant 0 : i32
      %dma_start3A_163 = tpu.memref_slice %arg3[%arg0, %add3A_8, %dma_start3A_162] : memref<2x2560x128xi32, #tpu.memory_space<hbm>> -> memref<1x40x128xi32, #tpu.memory_space<hbm>>
      %dma_start3A_164 = tpu.memref_squeeze %dma_start3A_163 : memref<1x40x128xi32, #tpu.memory_space<hbm>> -> memref<40x128xi32, #tpu.memory_space<hbm>>
      tpu.enqueue_dma source(%dma_start3A_164 : memref<40x128xi32, #tpu.memory_space<hbm>>) target(%arg7 : memref<40x128xi32, #tpu.memory_space<vmem>>) target_semaphore(%run_scoped3A_158 : memref<!tpu.dma_semaphore, #tpu.memory_space<semaphore_mem>>)
      %dma_wait3A_165 = arith.constant 0 : i32
      %dma_wait3A_166 = tpu.memref_slice %arg3[%arg0, %add3A_8, %dma_wait3A_165] : memref<2x2560x128xi32, #tpu.memory_space<hbm>> -> memref<1x40x128xi32, #tpu.memory_space<hbm>>
      %dma_wait3A_167 = tpu.memref_squeeze %dma_wait3A_166 : memref<1x40x128xi32, #tpu.memory_space<hbm>> -> memref<40x128xi32, #tpu.memory_space<hbm>>
      %dma_wait3A_168 = arith.constant 0 : i32
      %dma_wait3A_169 = tpu.memref_slice %arg3[%arg0, %add3A_8, %dma_wait3A_168] : memref<2x2560x128xi32, #tpu.memory_space<hbm>> -> memref<1x40x128xi32, #tpu.memory_space<hbm>>
      %dma_wait3A_170 = tpu.memref_squeeze %dma_wait3A_169 : memref<1x40x128xi32, #tpu.memory_space<hbm>> -> memref<40x128xi32, #tpu.memory_space<hbm>>
      tpu.wait_dma2 semaphore(%run_scoped3A_158 : memref<!tpu.dma_semaphore, #tpu.memory_space<semaphore_mem>>) src(%dma_wait3A_170 : memref<40x128xi32, #tpu.memory_space<hbm>>) dst(%arg7 : memref<40x128xi32, #tpu.memory_space<vmem>>)
      tpu.yield
    }) : () -> ()
    "tpu.region"() ({
      %run_scoped3A_158 = tpu.sem_alloc : memref<!tpu.dma_semaphore, #tpu.memory_space<semaphore_mem>>
      %dma_start3A_159 = arith.constant 0 : i32
      %dma_start3A_160 = tpu.memref_slice %arg4[%arg0, %add3A_8, %dma_start3A_159] : memref<2x2560x128xi32, #tpu.memory_space<hbm>> -> memref<1x40x128xi32, #tpu.memory_space<hbm>>
      %dma_start3A_161 = tpu.memref_squeeze %dma_start3A_160 : memref<1x40x128xi32, #tpu.memory_space<hbm>> -> memref<40x128xi32, #tpu.memory_space<hbm>>
      %dma_start3A_162 = arith.constant 0 : i32
      %dma_start3A_163 = tpu.memref_slice %arg4[%arg0, %add3A_8, %dma_start3A_162] : memref<2x2560x128xi32, #tpu.memory_space<hbm>> -> memref<1x40x128xi32, #tpu.memory_space<hbm>>
      %dma_start3A_164 = tpu.memref_squeeze %dma_start3A_163 : memref<1x40x128xi32, #tpu.memory_space<hbm>> -> memref<40x128xi32, #tpu.memory_space<hbm>>
      tpu.enqueue_dma source(%dma_start3A_164 : memref<40x128xi32, #tpu.memory_space<hbm>>) target(%arg8 : memref<40x128xi32, #tpu.memory_space<vmem>>) target_semaphore(%run_scoped3A_158 : memref<!tpu.dma_semaphore, #tpu.memory_space<semaphore_mem>>)
      %dma_wait3A_165 = arith.constant 0 : i32
      %dma_wait3A_166 = tpu.memref_slice %arg4[%arg0, %add3A_8, %dma_wait3A_165] : memref<2x2560x128xi32, #tpu.memory_space<hbm>> -> memref<1x40x128xi32, #tpu.memory_space<hbm>>
      %dma_wait3A_167 = tpu.memref_squeeze %dma_wait3A_166 : memref<1x40x128xi32, #tpu.memory_space<hbm>> -> memref<40x128xi32, #tpu.memory_space<hbm>>
      %dma_wait3A_168 = arith.constant 0 : i32
      %dma_wait3A_169 = tpu.memref_slice %arg4[%arg0, %add3A_8, %dma_wait3A_168] : memref<2x2560x128xi32, #tpu.memory_space<hbm>> -> memref<1x40x128xi32, #tpu.memory_space<hbm>>
      %dma_wait3A_170 = tpu.memref_squeeze %dma_wait3A_169 : memref<1x40x128xi32, #tpu.memory_space<hbm>> -> memref<40x128xi32, #tpu.memory_space<hbm>>
      tpu.wait_dma2 semaphore(%run_scoped3A_158 : memref<!tpu.dma_semaphore, #tpu.memory_space<semaphore_mem>>) src(%dma_wait3A_170 : memref<40x128xi32, #tpu.memory_space<hbm>>) dst(%arg8 : memref<40x128xi32, #tpu.memory_space<vmem>>)
      tpu.yield
    }) : () -> ()
    %dma_start3A = arith.constant 0 : i32
    %dma_start3A_9 = arith.constant 0 : i32
    %dma_start3A_10 = tpu.memref_slice %arg7[%dma_start3A, %dma_start3A_9] : memref<40x128xi32, #tpu.memory_space<vmem>> -> memref<1x128xi32, #tpu.memory_space<vmem>>
    %dma_start3A_11 = tpu.memref_squeeze %dma_start3A_10 : memref<1x128xi32, #tpu.memory_space<vmem>> -> memref<128xi32, #tpu.memory_space<vmem>>
    %dma_start3A_12 = arith.constant 0 : i32
    %dma_start3A_13 = arith.constant 0 : i32
    %dma_start3A_14 = tpu.memref_slice %arg2[%dma_start3A_12, %dma_start3A_13] : memref<20480x128xf32, #tpu.memory_space<hbm>> -> memref<20480x128xf32, #tpu.memory_space<hbm>>
    tpu.enqueue_indirect_dma source(%dma_start3A_14 : memref<20480x128xf32, #tpu.memory_space<hbm>>) target(%arg9 : memref<128x128xf32, #tpu.memory_space<vmem>>) offsets(%dma_start3A_11 : memref<128xi32, #tpu.memory_space<vmem>>) semaphore(%arg11 : memref<!tpu.dma_semaphore, #tpu.memory_space<semaphore_mem>>)
    %scan3A = arith.constant 0 : i32
    %scan3A_15 = arith.constant 0 : i32
    %scan3A_16 = arith.constant 19 : i32
    %scan3A_17 = arith.addi %scan3A_15, %scan3A_16 : i32
    %scan3A_18 = arith.constant 1 : i32
    scf.for %scan3A_158 = %scan3A_15 to %scan3A_17 step %scan3A_18  : i32 {
      %mul3A_159 = arith.constant 2 : i32
      %mul3A_160 = arith.muli %mul3A_159, %scan3A_158 : i32
      %add3A_161 = arith.constant 1 : i32
      %add3A_162 = arith.addi %mul3A_160, %add3A_161 : i32
      %dma_start3A_163 = arith.constant 0 : i32
      %dma_start3A_164 = tpu.memref_slice %arg7[%add3A_162, %dma_start3A_163] : memref<40x128xi32, #tpu.memory_space<vmem>> -> memref<1x128xi32, #tpu.memory_space<vmem>>
      %dma_start3A_165 = tpu.memref_squeeze %dma_start3A_164 : memref<1x128xi32, #tpu.memory_space<vmem>> -> memref<128xi32, #tpu.memory_space<vmem>>
      %dma_start3A_166 = arith.constant 0 : i32
      %dma_start3A_167 = arith.constant 0 : i32
      %dma_start3A_168 = tpu.memref_slice %arg2[%dma_start3A_166, %dma_start3A_167] : memref<20480x128xf32, #tpu.memory_space<hbm>> -> memref<20480x128xf32, #tpu.memory_space<hbm>>
      tpu.enqueue_indirect_dma source(%dma_start3A_168 : memref<20480x128xf32, #tpu.memory_space<hbm>>) target(%arg10 : memref<128x128xf32, #tpu.memory_space<vmem>>) offsets(%dma_start3A_165 : memref<128xi32, #tpu.memory_space<vmem>>) semaphore(%arg13 : memref<!tpu.dma_semaphore, #tpu.memory_space<semaphore_mem>>)
      %dma_wait3A_169 = arith.constant 0 : i32
      %dma_wait3A_170 = arith.constant 0 : i32
      %dma_wait3A_171 = tpu.memref_slice %arg2[%dma_wait3A_169, %dma_wait3A_170] : memref<20480x128xf32, #tpu.memory_space<hbm>> -> memref<128x128xf32, #tpu.memory_space<hbm>>
      %dma_wait3A_172 = arith.constant 0 : i32
      %dma_wait3A_173 = arith.constant 0 : i32
      %dma_wait3A_174 = tpu.memref_slice %arg2[%dma_wait3A_172, %dma_wait3A_173] : memref<20480x128xf32, #tpu.memory_space<hbm>> -> memref<128x128xf32, #tpu.memory_space<hbm>>
      tpu.wait_dma2 semaphore(%arg11 : memref<!tpu.dma_semaphore, #tpu.memory_space<semaphore_mem>>) src(%dma_wait3A_174 : memref<128x128xf32, #tpu.memory_space<hbm>>) dst(%arg9 : memref<128x128xf32, #tpu.memory_space<vmem>>)
      "tpu.region"() ({
        %run_scoped3A_191 = tpu.sem_alloc : memref<!tpu.dma_semaphore, #tpu.memory_space<semaphore_mem>>
        %dma_start3A_192 = arith.constant 0 : i32
        %dma_start3A_193 = tpu.memref_slice %arg8[%mul3A_160, %dma_start3A_192] : memref<40x128xi32, #tpu.memory_space<vmem>> -> memref<1x128xi32, #tpu.memory_space<vmem>>
        %dma_start3A_194 = tpu.memref_squeeze %dma_start3A_193 : memref<1x128xi32, #tpu.memory_space<vmem>> -> memref<128xi32, #tpu.memory_space<vmem>>
        %dma_start3A_195 = arith.constant 0 : i32
        %dma_start3A_196 = arith.constant 0 : i32
        %dma_start3A_197 = tpu.memref_slice %arg6[%dma_start3A_195, %dma_start3A_196] : memref<10240x128xf32, #tpu.memory_space<vmem_shared>> -> memref<10240x128xf32, #tpu.memory_space<vmem_shared>>
        tpu.enqueue_indirect_dma source(%arg9 : memref<128x128xf32, #tpu.memory_space<vmem>>) target(%dma_start3A_197 : memref<10240x128xf32, #tpu.memory_space<vmem_shared>>) offsets(%dma_start3A_194 : memref<128xi32, #tpu.memory_space<vmem>>) semaphore(%run_scoped3A_191 : memref<!tpu.dma_semaphore, #tpu.memory_space<semaphore_mem>>) {add = true}
        %dma_wait3A_198 = arith.constant 0 : i32
        %dma_wait3A_199 = tpu.memref_slice %arg8[%mul3A_160, %dma_wait3A_198] : memref<40x128xi32, #tpu.memory_space<vmem>> -> memref<1x128xi32, #tpu.memory_space<vmem>>
        %dma_wait3A_200 = tpu.memref_squeeze %dma_wait3A_199 : memref<1x128xi32, #tpu.memory_space<vmem>> -> memref<128xi32, #tpu.memory_space<vmem>>
        %dma_wait3A_201 = arith.constant 0 : i32
        %dma_wait3A_202 = arith.constant 0 : i32
        %dma_wait3A_203 = tpu.memref_slice %arg6[%dma_wait3A_201, %dma_wait3A_202] : memref<10240x128xf32, #tpu.memory_space<vmem_shared>> -> memref<10240x128xf32, #tpu.memory_space<vmem_shared>>
        tpu.wait_indirect_dma semaphore(%run_scoped3A_191 : memref<!tpu.dma_semaphore, #tpu.memory_space<semaphore_mem>>) src(%arg9 : memref<128x128xf32, #tpu.memory_space<vmem>>) dst(%dma_wait3A_203 : memref<10240x128xf32, #tpu.memory_space<vmem_shared>>)
        tpu.yield
      }) : () -> ()
      %add3A_175 = arith.constant 2 : i32
      %add3A_176 = arith.addi %mul3A_160, %add3A_175 : i32
      %dma_start3A_177 = arith.constant 0 : i32
      %dma_start3A_178 = tpu.memref_slice %arg7[%add3A_176, %dma_start3A_177] : memref<40x128xi32, #tpu.memory_space<vmem>> -> memref<1x128xi32, #tpu.memory_space<vmem>>
      %dma_start3A_179 = tpu.memref_squeeze %dma_start3A_178 : memref<1x128xi32, #tpu.memory_space<vmem>> -> memref<128xi32, #tpu.memory_space<vmem>>
      %dma_start3A_180 = arith.constant 0 : i32
      %dma_start3A_181 = arith.constant 0 : i32
      %dma_start3A_182 = tpu.memref_slice %arg2[%dma_start3A_180, %dma_start3A_181] : memref<20480x128xf32, #tpu.memory_space<hbm>> -> memref<20480x128xf32, #tpu.memory_space<hbm>>
      tpu.enqueue_indirect_dma source(%dma_start3A_182 : memref<20480x128xf32, #tpu.memory_space<hbm>>) target(%arg9 : memref<128x128xf32, #tpu.memory_space<vmem>>) offsets(%dma_start3A_179 : memref<128xi32, #tpu.memory_space<vmem>>) semaphore(%arg11 : memref<!tpu.dma_semaphore, #tpu.memory_space<semaphore_mem>>)
      %add3A_183 = arith.constant 1 : i32
      %add3A_184 = arith.addi %mul3A_160, %add3A_183 : i32
      %dma_wait3A_185 = arith.constant 0 : i32
      %dma_wait3A_186 = arith.constant 0 : i32
      %dma_wait3A_187 = tpu.memref_slice %arg2[%dma_wait3A_185, %dma_wait3A_186] : memref<20480x128xf32, #tpu.memory_space<hbm>> -> memref<128x128xf32, #tpu.memory_space<hbm>>
      %dma_wait3A_188 = arith.constant 0 : i32
      %dma_wait3A_189 = arith.constant 0 : i32
      %dma_wait3A_190 = tpu.memref_slice %arg2[%dma_wait3A_188, %dma_wait3A_189] : memref<20480x128xf32, #tpu.memory_space<hbm>> -> memref<128x128xf32, #tpu.memory_space<hbm>>
      tpu.wait_dma2 semaphore(%arg13 : memref<!tpu.dma_semaphore, #tpu.memory_space<semaphore_mem>>) src(%dma_wait3A_190 : memref<128x128xf32, #tpu.memory_space<hbm>>) dst(%arg10 : memref<128x128xf32, #tpu.memory_space<vmem>>)
      "tpu.region"() ({
        %run_scoped3A_191 = tpu.sem_alloc : memref<!tpu.dma_semaphore, #tpu.memory_space<semaphore_mem>>
        %dma_start3A_192 = arith.constant 0 : i32
        %dma_start3A_193 = tpu.memref_slice %arg8[%add3A_184, %dma_start3A_192] : memref<40x128xi32, #tpu.memory_space<vmem>> -> memref<1x128xi32, #tpu.memory_space<vmem>>
        %dma_start3A_194 = tpu.memref_squeeze %dma_start3A_193 : memref<1x128xi32, #tpu.memory_space<vmem>> -> memref<128xi32, #tpu.memory_space<vmem>>
        %dma_start3A_195 = arith.constant 0 : i32
        %dma_start3A_196 = arith.constant 0 : i32
        %dma_start3A_197 = tpu.memref_slice %arg6[%dma_start3A_195, %dma_start3A_196] : memref<10240x128xf32, #tpu.memory_space<vmem_shared>> -> memref<10240x128xf32, #tpu.memory_space<vmem_shared>>
        tpu.enqueue_indirect_dma source(%arg10 : memref<128x128xf32, #tpu.memory_space<vmem>>) target(%dma_start3A_197 : memref<10240x128xf32, #tpu.memory_space<vmem_shared>>) offsets(%dma_start3A_194 : memref<128xi32, #tpu.memory_space<vmem>>) semaphore(%run_scoped3A_191 : memref<!tpu.dma_semaphore, #tpu.memory_space<semaphore_mem>>) {add = true}
        %dma_wait3A_198 = arith.constant 0 : i32
        %dma_wait3A_199 = tpu.memref_slice %arg8[%add3A_184, %dma_wait3A_198] : memref<40x128xi32, #tpu.memory_space<vmem>> -> memref<1x128xi32, #tpu.memory_space<vmem>>
        %dma_wait3A_200 = tpu.memref_squeeze %dma_wait3A_199 : memref<1x128xi32, #tpu.memory_space<vmem>> -> memref<128xi32, #tpu.memory_space<vmem>>
        %dma_wait3A_201 = arith.constant 0 : i32
        %dma_wait3A_202 = arith.constant 0 : i32
        %dma_wait3A_203 = tpu.memref_slice %arg6[%dma_wait3A_201, %dma_wait3A_202] : memref<10240x128xf32, #tpu.memory_space<vmem_shared>> -> memref<10240x128xf32, #tpu.memory_space<vmem_shared>>
        tpu.wait_indirect_dma semaphore(%run_scoped3A_191 : memref<!tpu.dma_semaphore, #tpu.memory_space<semaphore_mem>>) src(%arg10 : memref<128x128xf32, #tpu.memory_space<vmem>>) dst(%dma_wait3A_203 : memref<10240x128xf32, #tpu.memory_space<vmem_shared>>)
        tpu.yield
      }) : () -> ()
    }
    %scan3A_19 = arith.constant 19 : i32
    %dma_start3A_20 = arith.constant 39 : i32
    %dma_start3A_21 = arith.constant 0 : i32
    %dma_start3A_22 = tpu.memref_slice %arg7[%dma_start3A_20, %dma_start3A_21] : memref<40x128xi32, #tpu.memory_space<vmem>> -> memref<1x128xi32, #tpu.memory_space<vmem>>
    %dma_start3A_23 = tpu.memref_squeeze %dma_start3A_22 : memref<1x128xi32, #tpu.memory_space<vmem>> -> memref<128xi32, #tpu.memory_space<vmem>>
    %dma_start3A_24 = arith.constant 0 : i32
    %dma_start3A_25 = arith.constant 0 : i32
    %dma_start3A_26 = tpu.memref_slice %arg2[%dma_start3A_24, %dma_start3A_25] : memref<20480x128xf32, #tpu.memory_space<hbm>> -> memref<20480x128xf32, #tpu.memory_space<hbm>>
    tpu.enqueue_indirect_dma source(%dma_start3A_26 : memref<20480x128xf32, #tpu.memory_space<hbm>>) target(%arg10 : memref<128x128xf32, #tpu.memory_space<vmem>>) offsets(%dma_start3A_23 : memref<128xi32, #tpu.memory_space<vmem>>) semaphore(%arg13 : memref<!tpu.dma_semaphore, #tpu.memory_space<semaphore_mem>>)
    %dma_wait3A = arith.constant 0 : i32
    %dma_wait3A_27 = arith.constant 0 : i32
    %dma_wait3A_28 = tpu.memref_slice %arg2[%dma_wait3A, %dma_wait3A_27] : memref<20480x128xf32, #tpu.memory_space<hbm>> -> memref<128x128xf32, #tpu.memory_space<hbm>>
    %dma_wait3A_29 = arith.constant 0 : i32
    %dma_wait3A_30 = arith.constant 0 : i32
    %dma_wait3A_31 = tpu.memref_slice %arg2[%dma_wait3A_29, %dma_wait3A_30] : memref<20480x128xf32, #tpu.memory_space<hbm>> -> memref<128x128xf32, #tpu.memory_space<hbm>>
    tpu.wait_dma2 semaphore(%arg11 : memref<!tpu.dma_semaphore, #tpu.memory_space<semaphore_mem>>) src(%dma_wait3A_31 : memref<128x128xf32, #tpu.memory_space<hbm>>) dst(%arg9 : memref<128x128xf32, #tpu.memory_space<vmem>>)
    %run_scoped3A = arith.constant 38 : i32
    "tpu.region"() ({
      %run_scoped3A_158 = tpu.sem_alloc : memref<!tpu.dma_semaphore, #tpu.memory_space<semaphore_mem>>
      %dma_start3A_159 = arith.constant 0 : i32
      %dma_start3A_160 = tpu.memref_slice %arg8[%run_scoped3A, %dma_start3A_159] : memref<40x128xi32, #tpu.memory_space<vmem>> -> memref<1x128xi32, #tpu.memory_space<vmem>>
      %dma_start3A_161 = tpu.memref_squeeze %dma_start3A_160 : memref<1x128xi32, #tpu.memory_space<vmem>> -> memref<128xi32, #tpu.memory_space<vmem>>
      %dma_start3A_162 = arith.constant 0 : i32
      %dma_start3A_163 = arith.constant 0 : i32
      %dma_start3A_164 = tpu.memref_slice %arg6[%dma_start3A_162, %dma_start3A_163] : memref<10240x128xf32, #tpu.memory_space<vmem_shared>> -> memref<10240x128xf32, #tpu.memory_space<vmem_shared>>
      tpu.enqueue_indirect_dma source(%arg9 : memref<128x128xf32, #tpu.memory_space<vmem>>) target(%dma_start3A_164 : memref<10240x128xf32, #tpu.memory_space<vmem_shared>>) offsets(%dma_start3A_161 : memref<128xi32, #tpu.memory_space<vmem>>) semaphore(%run_scoped3A_158 : memref<!tpu.dma_semaphore, #tpu.memory_space<semaphore_mem>>) {add = true}
      %dma_wait3A_165 = arith.constant 0 : i32
      %dma_wait3A_166 = tpu.memref_slice %arg8[%run_scoped3A, %dma_wait3A_165] : memref<40x128xi32, #tpu.memory_space<vmem>> -> memref<1x128xi32, #tpu.memory_space<vmem>>
      %dma_wait3A_167 = tpu.memref_squeeze %dma_wait3A_166 : memref<1x128xi32, #tpu.memory_space<vmem>> -> memref<128xi32, #tpu.memory_space<vmem>>
      %dma_wait3A_168 = arith.constant 0 : i32
      %dma_wait3A_169 = arith.constant 0 : i32
      %dma_wait3A_170 = tpu.memref_slice %arg6[%dma_wait3A_168, %dma_wait3A_169] : memref<10240x128xf32, #tpu.memory_space<vmem_shared>> -> memref<10240x128xf32, #tpu.memory_space<vmem_shared>>
      tpu.wait_indirect_dma semaphore(%run_scoped3A_158 : memref<!tpu.dma_semaphore, #tpu.memory_space<semaphore_mem>>) src(%arg9 : memref<128x128xf32, #tpu.memory_space<vmem>>) dst(%dma_wait3A_170 : memref<10240x128xf32, #tpu.memory_space<vmem_shared>>)
      tpu.yield
    }) : () -> ()
    %dma_wait3A_32 = arith.constant 0 : i32
    %dma_wait3A_33 = arith.constant 0 : i32
    %dma_wait3A_34 = tpu.memref_slice %arg2[%dma_wait3A_32, %dma_wait3A_33] : memref<20480x128xf32, #tpu.memory_space<hbm>> -> memref<128x128xf32, #tpu.memory_space<hbm>>
    %dma_wait3A_35 = arith.constant 0 : i32
    %dma_wait3A_36 = arith.constant 0 : i32
    %dma_wait3A_37 = tpu.memref_slice %arg2[%dma_wait3A_35, %dma_wait3A_36] : memref<20480x128xf32, #tpu.memory_space<hbm>> -> memref<128x128xf32, #tpu.memory_space<hbm>>
    tpu.wait_dma2 semaphore(%arg13 : memref<!tpu.dma_semaphore, #tpu.memory_space<semaphore_mem>>) src(%dma_wait3A_37 : memref<128x128xf32, #tpu.memory_space<hbm>>) dst(%arg10 : memref<128x128xf32, #tpu.memory_space<vmem>>)
    %run_scoped3A_38 = arith.constant 39 : i32
    "tpu.region"() ({
      %run_scoped3A_158 = tpu.sem_alloc : memref<!tpu.dma_semaphore, #tpu.memory_space<semaphore_mem>>
      %dma_start3A_159 = arith.constant 0 : i32
      %dma_start3A_160 = tpu.memref_slice %arg8[%run_scoped3A_38, %dma_start3A_159] : memref<40x128xi32, #tpu.memory_space<vmem>> -> memref<1x128xi32, #tpu.memory_space<vmem>>
      %dma_start3A_161 = tpu.memref_squeeze %dma_start3A_160 : memref<1x128xi32, #tpu.memory_space<vmem>> -> memref<128xi32, #tpu.memory_space<vmem>>
      %dma_start3A_162 = arith.constant 0 : i32
      %dma_start3A_163 = arith.constant 0 : i32
      %dma_start3A_164 = tpu.memref_slice %arg6[%dma_start3A_162, %dma_start3A_163] : memref<10240x128xf32, #tpu.memory_space<vmem_shared>> -> memref<10240x128xf32, #tpu.memory_space<vmem_shared>>
      tpu.enqueue_indirect_dma source(%arg10 : memref<128x128xf32, #tpu.memory_space<vmem>>) target(%dma_start3A_164 : memref<10240x128xf32, #tpu.memory_space<vmem_shared>>) offsets(%dma_start3A_161 : memref<128xi32, #tpu.memory_space<vmem>>) semaphore(%run_scoped3A_158 : memref<!tpu.dma_semaphore, #tpu.memory_space<semaphore_mem>>) {add = true}
      %dma_wait3A_165 = arith.constant 0 : i32
      %dma_wait3A_166 = tpu.memref_slice %arg8[%run_scoped3A_38, %dma_wait3A_165] : memref<40x128xi32, #tpu.memory_space<vmem>> -> memref<1x128xi32, #tpu.memory_space<vmem>>
      %dma_wait3A_167 = tpu.memref_squeeze %dma_wait3A_166 : memref<1x128xi32, #tpu.memory_space<vmem>> -> memref<128xi32, #tpu.memory_space<vmem>>
      %dma_wait3A_168 = arith.constant 0 : i32
      %dma_wait3A_169 = arith.constant 0 : i32
      %dma_wait3A_170 = tpu.memref_slice %arg6[%dma_wait3A_168, %dma_wait3A_169] : memref<10240x128xf32, #tpu.memory_space<vmem_shared>> -> memref<10240x128xf32, #tpu.memory_space<vmem_shared>>
      tpu.wait_indirect_dma semaphore(%run_scoped3A_158 : memref<!tpu.dma_semaphore, #tpu.memory_space<semaphore_mem>>) src(%arg10 : memref<128x128xf32, #tpu.memory_space<vmem>>) dst(%dma_wait3A_170 : memref<10240x128xf32, #tpu.memory_space<vmem_shared>>)
      tpu.yield
    }) : () -> ()
    %mul3A_39 = arith.constant 160 : i32
    %mul3A_40 = arith.muli %arg1, %mul3A_39 : i32
    %add3A_41 = arith.constant 40 : i32
    %add3A_42 = arith.addi %mul3A_40, %add3A_41 : i32
    "tpu.region"() ({
      %run_scoped3A_158 = tpu.sem_alloc : memref<!tpu.dma_semaphore, #tpu.memory_space<semaphore_mem>>
      %dma_start3A_159 = arith.constant 0 : i32
      %dma_start3A_160 = tpu.memref_slice %arg3[%arg0, %add3A_42, %dma_start3A_159] : memref<2x2560x128xi32, #tpu.memory_space<hbm>> -> memref<1x40x128xi32, #tpu.memory_space<hbm>>
      %dma_start3A_161 = tpu.memref_squeeze %dma_start3A_160 : memref<1x40x128xi32, #tpu.memory_space<hbm>> -> memref<40x128xi32, #tpu.memory_space<hbm>>
      %dma_start3A_162 = arith.constant 0 : i32
      %dma_start3A_163 = tpu.memref_slice %arg3[%arg0, %add3A_42, %dma_start3A_162] : memref<2x2560x128xi32, #tpu.memory_space<hbm>> -> memref<1x40x128xi32, #tpu.memory_space<hbm>>
      %dma_start3A_164 = tpu.memref_squeeze %dma_start3A_163 : memref<1x40x128xi32, #tpu.memory_space<hbm>> -> memref<40x128xi32, #tpu.memory_space<hbm>>
      tpu.enqueue_dma source(%dma_start3A_164 : memref<40x128xi32, #tpu.memory_space<hbm>>) target(%arg7 : memref<40x128xi32, #tpu.memory_space<vmem>>) target_semaphore(%run_scoped3A_158 : memref<!tpu.dma_semaphore, #tpu.memory_space<semaphore_mem>>)
      %dma_wait3A_165 = arith.constant 0 : i32
      %dma_wait3A_166 = tpu.memref_slice %arg3[%arg0, %add3A_42, %dma_wait3A_165] : memref<2x2560x128xi32, #tpu.memory_space<hbm>> -> memref<1x40x128xi32, #tpu.memory_space<hbm>>
      %dma_wait3A_167 = tpu.memref_squeeze %dma_wait3A_166 : memref<1x40x128xi32, #tpu.memory_space<hbm>> -> memref<40x128xi32, #tpu.memory_space<hbm>>
      %dma_wait3A_168 = arith.constant 0 : i32
      %dma_wait3A_169 = tpu.memref_slice %arg3[%arg0, %add3A_42, %dma_wait3A_168] : memref<2x2560x128xi32, #tpu.memory_space<hbm>> -> memref<1x40x128xi32, #tpu.memory_space<hbm>>
      %dma_wait3A_170 = tpu.memref_squeeze %dma_wait3A_169 : memref<1x40x128xi32, #tpu.memory_space<hbm>> -> memref<40x128xi32, #tpu.memory_space<hbm>>
      tpu.wait_dma2 semaphore(%run_scoped3A_158 : memref<!tpu.dma_semaphore, #tpu.memory_space<semaphore_mem>>) src(%dma_wait3A_170 : memref<40x128xi32, #tpu.memory_space<hbm>>) dst(%arg7 : memref<40x128xi32, #tpu.memory_space<vmem>>)
      tpu.yield
    }) : () -> ()
    "tpu.region"() ({
      %run_scoped3A_158 = tpu.sem_alloc : memref<!tpu.dma_semaphore, #tpu.memory_space<semaphore_mem>>
      %dma_start3A_159 = arith.constant 0 : i32
      %dma_start3A_160 = tpu.memref_slice %arg4[%arg0, %add3A_42, %dma_start3A_159] : memref<2x2560x128xi32, #tpu.memory_space<hbm>> -> memref<1x40x128xi32, #tpu.memory_space<hbm>>
      %dma_start3A_161 = tpu.memref_squeeze %dma_start3A_160 : memref<1x40x128xi32, #tpu.memory_space<hbm>> -> memref<40x128xi32, #tpu.memory_space<hbm>>
      %dma_start3A_162 = arith.constant 0 : i32
      %dma_start3A_163 = tpu.memref_slice %arg4[%arg0, %add3A_42, %dma_start3A_162] : memref<2x2560x128xi32, #tpu.memory_space<hbm>> -> memref<1x40x128xi32, #tpu.memory_space<hbm>>
      %dma_start3A_164 = tpu.memref_squeeze %dma_start3A_163 : memref<1x40x128xi32, #tpu.memory_space<hbm>> -> memref<40x128xi32, #tpu.memory_space<hbm>>
      tpu.enqueue_dma source(%dma_start3A_164 : memref<40x128xi32, #tpu.memory_space<hbm>>) target(%arg8 : memref<40x128xi32, #tpu.memory_space<vmem>>) target_semaphore(%run_scoped3A_158 : memref<!tpu.dma_semaphore, #tpu.memory_space<semaphore_mem>>)
      %dma_wait3A_165 = arith.constant 0 : i32
      %dma_wait3A_166 = tpu.memref_slice %arg4[%arg0, %add3A_42, %dma_wait3A_165] : memref<2x2560x128xi32, #tpu.memory_space<hbm>> -> memref<1x40x128xi32, #tpu.memory_space<hbm>>
      %dma_wait3A_167 = tpu.memref_squeeze %dma_wait3A_166 : memref<1x40x128xi32, #tpu.memory_space<hbm>> -> memref<40x128xi32, #tpu.memory_space<hbm>>
      %dma_wait3A_168 = arith.constant 0 : i32
      %dma_wait3A_169 = tpu.memref_slice %arg4[%arg0, %add3A_42, %dma_wait3A_168] : memref<2x2560x128xi32, #tpu.memory_space<hbm>> -> memref<1x40x128xi32, #tpu.memory_space<hbm>>
      %dma_wait3A_170 = tpu.memref_squeeze %dma_wait3A_169 : memref<1x40x128xi32, #tpu.memory_space<hbm>> -> memref<40x128xi32, #tpu.memory_space<hbm>>
      tpu.wait_dma2 semaphore(%run_scoped3A_158 : memref<!tpu.dma_semaphore, #tpu.memory_space<semaphore_mem>>) src(%dma_wait3A_170 : memref<40x128xi32, #tpu.memory_space<hbm>>) dst(%arg8 : memref<40x128xi32, #tpu.memory_space<vmem>>)
      tpu.yield
    }) : () -> ()
    %dma_start3A_43 = arith.constant 0 : i32
    %dma_start3A_44 = arith.constant 0 : i32
    %dma_start3A_45 = tpu.memref_slice %arg7[%dma_start3A_43, %dma_start3A_44] : memref<40x128xi32, #tpu.memory_space<vmem>> -> memref<1x128xi32, #tpu.memory_space<vmem>>
    %dma_start3A_46 = tpu.memref_squeeze %dma_start3A_45 : memref<1x128xi32, #tpu.memory_space<vmem>> -> memref<128xi32, #tpu.memory_space<vmem>>
    %dma_start3A_47 = arith.constant 0 : i32
    %dma_start3A_48 = arith.constant 0 : i32
    %dma_start3A_49 = tpu.memref_slice %arg2[%dma_start3A_47, %dma_start3A_48] : memref<20480x128xf32, #tpu.memory_space<hbm>> -> memref<20480x128xf32, #tpu.memory_space<hbm>>
    tpu.enqueue_indirect_dma source(%dma_start3A_49 : memref<20480x128xf32, #tpu.memory_space<hbm>>) target(%arg9 : memref<128x128xf32, #tpu.memory_space<vmem>>) offsets(%dma_start3A_46 : memref<128xi32, #tpu.memory_space<vmem>>) semaphore(%arg11 : memref<!tpu.dma_semaphore, #tpu.memory_space<semaphore_mem>>)
    %scan3A_50 = arith.constant 0 : i32
    %scan3A_51 = arith.constant 0 : i32
    %scan3A_52 = arith.constant 19 : i32
    %scan3A_53 = arith.addi %scan3A_51, %scan3A_52 : i32
    %scan3A_54 = arith.constant 1 : i32
    scf.for %scan3A_158 = %scan3A_51 to %scan3A_53 step %scan3A_54  : i32 {
      %mul3A_159 = arith.constant 2 : i32
      %mul3A_160 = arith.muli %mul3A_159, %scan3A_158 : i32
      %add3A_161 = arith.constant 1 : i32
      %add3A_162 = arith.addi %mul3A_160, %add3A_161 : i32
      %dma_start3A_163 = arith.constant 0 : i32
      %dma_start3A_164 = tpu.memref_slice %arg7[%add3A_162, %dma_start3A_163] : memref<40x128xi32, #tpu.memory_space<vmem>> -> memref<1x128xi32, #tpu.memory_space<vmem>>
      %dma_start3A_165 = tpu.memref_squeeze %dma_start3A_164 : memref<1x128xi32, #tpu.memory_space<vmem>> -> memref<128xi32, #tpu.memory_space<vmem>>
      %dma_start3A_166 = arith.constant 0 : i32
      %dma_start3A_167 = arith.constant 0 : i32
      %dma_start3A_168 = tpu.memref_slice %arg2[%dma_start3A_166, %dma_start3A_167] : memref<20480x128xf32, #tpu.memory_space<hbm>> -> memref<20480x128xf32, #tpu.memory_space<hbm>>
      tpu.enqueue_indirect_dma source(%dma_start3A_168 : memref<20480x128xf32, #tpu.memory_space<hbm>>) target(%arg10 : memref<128x128xf32, #tpu.memory_space<vmem>>) offsets(%dma_start3A_165 : memref<128xi32, #tpu.memory_space<vmem>>) semaphore(%arg13 : memref<!tpu.dma_semaphore, #tpu.memory_space<semaphore_mem>>)
      %dma_wait3A_169 = arith.constant 0 : i32
      %dma_wait3A_170 = arith.constant 0 : i32
      %dma_wait3A_171 = tpu.memref_slice %arg2[%dma_wait3A_169, %dma_wait3A_170] : memref<20480x128xf32, #tpu.memory_space<hbm>> -> memref<128x128xf32, #tpu.memory_space<hbm>>
      %dma_wait3A_172 = arith.constant 0 : i32
      %dma_wait3A_173 = arith.constant 0 : i32
      %dma_wait3A_174 = tpu.memref_slice %arg2[%dma_wait3A_172, %dma_wait3A_173] : memref<20480x128xf32, #tpu.memory_space<hbm>> -> memref<128x128xf32, #tpu.memory_space<hbm>>
      tpu.wait_dma2 semaphore(%arg11 : memref<!tpu.dma_semaphore, #tpu.memory_space<semaphore_mem>>) src(%dma_wait3A_174 : memref<128x128xf32, #tpu.memory_space<hbm>>) dst(%arg9 : memref<128x128xf32, #tpu.memory_space<vmem>>)
      "tpu.region"() ({
        %run_scoped3A_191 = tpu.sem_alloc : memref<!tpu.dma_semaphore, #tpu.memory_space<semaphore_mem>>
        %dma_start3A_192 = arith.constant 0 : i32
        %dma_start3A_193 = tpu.memref_slice %arg8[%mul3A_160, %dma_start3A_192] : memref<40x128xi32, #tpu.memory_space<vmem>> -> memref<1x128xi32, #tpu.memory_space<vmem>>
        %dma_start3A_194 = tpu.memref_squeeze %dma_start3A_193 : memref<1x128xi32, #tpu.memory_space<vmem>> -> memref<128xi32, #tpu.memory_space<vmem>>
        %dma_start3A_195 = arith.constant 0 : i32
        %dma_start3A_196 = arith.constant 0 : i32
        %dma_start3A_197 = tpu.memref_slice %arg6[%dma_start3A_195, %dma_start3A_196] : memref<10240x128xf32, #tpu.memory_space<vmem_shared>> -> memref<10240x128xf32, #tpu.memory_space<vmem_shared>>
        tpu.enqueue_indirect_dma source(%arg9 : memref<128x128xf32, #tpu.memory_space<vmem>>) target(%dma_start3A_197 : memref<10240x128xf32, #tpu.memory_space<vmem_shared>>) offsets(%dma_start3A_194 : memref<128xi32, #tpu.memory_space<vmem>>) semaphore(%run_scoped3A_191 : memref<!tpu.dma_semaphore, #tpu.memory_space<semaphore_mem>>) {add = true}
        %dma_wait3A_198 = arith.constant 0 : i32
        %dma_wait3A_199 = tpu.memref_slice %arg8[%mul3A_160, %dma_wait3A_198] : memref<40x128xi32, #tpu.memory_space<vmem>> -> memref<1x128xi32, #tpu.memory_space<vmem>>
        %dma_wait3A_200 = tpu.memref_squeeze %dma_wait3A_199 : memref<1x128xi32, #tpu.memory_space<vmem>> -> memref<128xi32, #tpu.memory_space<vmem>>
        %dma_wait3A_201 = arith.constant 0 : i32
        %dma_wait3A_202 = arith.constant 0 : i32
        %dma_wait3A_203 = tpu.memref_slice %arg6[%dma_wait3A_201, %dma_wait3A_202] : memref<10240x128xf32, #tpu.memory_space<vmem_shared>> -> memref<10240x128xf32, #tpu.memory_space<vmem_shared>>
        tpu.wait_indirect_dma semaphore(%run_scoped3A_191 : memref<!tpu.dma_semaphore, #tpu.memory_space<semaphore_mem>>) src(%arg9 : memref<128x128xf32, #tpu.memory_space<vmem>>) dst(%dma_wait3A_203 : memref<10240x128xf32, #tpu.memory_space<vmem_shared>>)
        tpu.yield
      }) : () -> ()
      %add3A_175 = arith.constant 2 : i32
      %add3A_176 = arith.addi %mul3A_160, %add3A_175 : i32
      %dma_start3A_177 = arith.constant 0 : i32
      %dma_start3A_178 = tpu.memref_slice %arg7[%add3A_176, %dma_start3A_177] : memref<40x128xi32, #tpu.memory_space<vmem>> -> memref<1x128xi32, #tpu.memory_space<vmem>>
      %dma_start3A_179 = tpu.memref_squeeze %dma_start3A_178 : memref<1x128xi32, #tpu.memory_space<vmem>> -> memref<128xi32, #tpu.memory_space<vmem>>
      %dma_start3A_180 = arith.constant 0 : i32
      %dma_start3A_181 = arith.constant 0 : i32
      %dma_start3A_182 = tpu.memref_slice %arg2[%dma_start3A_180, %dma_start3A_181] : memref<20480x128xf32, #tpu.memory_space<hbm>> -> memref<20480x128xf32, #tpu.memory_space<hbm>>
      tpu.enqueue_indirect_dma source(%dma_start3A_182 : memref<20480x128xf32, #tpu.memory_space<hbm>>) target(%arg9 : memref<128x128xf32, #tpu.memory_space<vmem>>) offsets(%dma_start3A_179 : memref<128xi32, #tpu.memory_space<vmem>>) semaphore(%arg11 : memref<!tpu.dma_semaphore, #tpu.memory_space<semaphore_mem>>)
      %add3A_183 = arith.constant 1 : i32
      %add3A_184 = arith.addi %mul3A_160, %add3A_183 : i32
      %dma_wait3A_185 = arith.constant 0 : i32
      %dma_wait3A_186 = arith.constant 0 : i32
      %dma_wait3A_187 = tpu.memref_slice %arg2[%dma_wait3A_185, %dma_wait3A_186] : memref<20480x128xf32, #tpu.memory_space<hbm>> -> memref<128x128xf32, #tpu.memory_space<hbm>>
      %dma_wait3A_188 = arith.constant 0 : i32
      %dma_wait3A_189 = arith.constant 0 : i32
      %dma_wait3A_190 = tpu.memref_slice %arg2[%dma_wait3A_188, %dma_wait3A_189] : memref<20480x128xf32, #tpu.memory_space<hbm>> -> memref<128x128xf32, #tpu.memory_space<hbm>>
      tpu.wait_dma2 semaphore(%arg13 : memref<!tpu.dma_semaphore, #tpu.memory_space<semaphore_mem>>) src(%dma_wait3A_190 : memref<128x128xf32, #tpu.memory_space<hbm>>) dst(%arg10 : memref<128x128xf32, #tpu.memory_space<vmem>>)
      "tpu.region"() ({
        %run_scoped3A_191 = tpu.sem_alloc : memref<!tpu.dma_semaphore, #tpu.memory_space<semaphore_mem>>
        %dma_start3A_192 = arith.constant 0 : i32
        %dma_start3A_193 = tpu.memref_slice %arg8[%add3A_184, %dma_start3A_192] : memref<40x128xi32, #tpu.memory_space<vmem>> -> memref<1x128xi32, #tpu.memory_space<vmem>>
        %dma_start3A_194 = tpu.memref_squeeze %dma_start3A_193 : memref<1x128xi32, #tpu.memory_space<vmem>> -> memref<128xi32, #tpu.memory_space<vmem>>
        %dma_start3A_195 = arith.constant 0 : i32
        %dma_start3A_196 = arith.constant 0 : i32
        %dma_start3A_197 = tpu.memref_slice %arg6[%dma_start3A_195, %dma_start3A_196] : memref<10240x128xf32, #tpu.memory_space<vmem_shared>> -> memref<10240x128xf32, #tpu.memory_space<vmem_shared>>
        tpu.enqueue_indirect_dma source(%arg10 : memref<128x128xf32, #tpu.memory_space<vmem>>) target(%dma_start3A_197 : memref<10240x128xf32, #tpu.memory_space<vmem_shared>>) offsets(%dma_start3A_194 : memref<128xi32, #tpu.memory_space<vmem>>) semaphore(%run_scoped3A_191 : memref<!tpu.dma_semaphore, #tpu.memory_space<semaphore_mem>>) {add = true}
        %dma_wait3A_198 = arith.constant 0 : i32
        %dma_wait3A_199 = tpu.memref_slice %arg8[%add3A_184, %dma_wait3A_198] : memref<40x128xi32, #tpu.memory_space<vmem>> -> memref<1x128xi32, #tpu.memory_space<vmem>>
        %dma_wait3A_200 = tpu.memref_squeeze %dma_wait3A_199 : memref<1x128xi32, #tpu.memory_space<vmem>> -> memref<128xi32, #tpu.memory_space<vmem>>
        %dma_wait3A_201 = arith.constant 0 : i32
        %dma_wait3A_202 = arith.constant 0 : i32
        %dma_wait3A_203 = tpu.memref_slice %arg6[%dma_wait3A_201, %dma_wait3A_202] : memref<10240x128xf32, #tpu.memory_space<vmem_shared>> -> memref<10240x128xf32, #tpu.memory_space<vmem_shared>>
        tpu.wait_indirect_dma semaphore(%run_scoped3A_191 : memref<!tpu.dma_semaphore, #tpu.memory_space<semaphore_mem>>) src(%arg10 : memref<128x128xf32, #tpu.memory_space<vmem>>) dst(%dma_wait3A_203 : memref<10240x128xf32, #tpu.memory_space<vmem_shared>>)
        tpu.yield
      }) : () -> ()
    }
    %scan3A_55 = arith.constant 19 : i32
    %dma_start3A_56 = arith.constant 39 : i32
    %dma_start3A_57 = arith.constant 0 : i32
    %dma_start3A_58 = tpu.memref_slice %arg7[%dma_start3A_56, %dma_start3A_57] : memref<40x128xi32, #tpu.memory_space<vmem>> -> memref<1x128xi32, #tpu.memory_space<vmem>>
    %dma_start3A_59 = tpu.memref_squeeze %dma_start3A_58 : memref<1x128xi32, #tpu.memory_space<vmem>> -> memref<128xi32, #tpu.memory_space<vmem>>
    %dma_start3A_60 = arith.constant 0 : i32
    %dma_start3A_61 = arith.constant 0 : i32
    %dma_start3A_62 = tpu.memref_slice %arg2[%dma_start3A_60, %dma_start3A_61] : memref<20480x128xf32, #tpu.memory_space<hbm>> -> memref<20480x128xf32, #tpu.memory_space<hbm>>
    tpu.enqueue_indirect_dma source(%dma_start3A_62 : memref<20480x128xf32, #tpu.memory_space<hbm>>) target(%arg10 : memref<128x128xf32, #tpu.memory_space<vmem>>) offsets(%dma_start3A_59 : memref<128xi32, #tpu.memory_space<vmem>>) semaphore(%arg13 : memref<!tpu.dma_semaphore, #tpu.memory_space<semaphore_mem>>)
    %dma_wait3A_63 = arith.constant 0 : i32
    %dma_wait3A_64 = arith.constant 0 : i32
    %dma_wait3A_65 = tpu.memref_slice %arg2[%dma_wait3A_63, %dma_wait3A_64] : memref<20480x128xf32, #tpu.memory_space<hbm>> -> memref<128x128xf32, #tpu.memory_space<hbm>>
    %dma_wait3A_66 = arith.constant 0 : i32
    %dma_wait3A_67 = arith.constant 0 : i32
    %dma_wait3A_68 = tpu.memref_slice %arg2[%dma_wait3A_66, %dma_wait3A_67] : memref<20480x128xf32, #tpu.memory_space<hbm>> -> memref<128x128xf32, #tpu.memory_space<hbm>>
    tpu.wait_dma2 semaphore(%arg11 : memref<!tpu.dma_semaphore, #tpu.memory_space<semaphore_mem>>) src(%dma_wait3A_68 : memref<128x128xf32, #tpu.memory_space<hbm>>) dst(%arg9 : memref<128x128xf32, #tpu.memory_space<vmem>>)
    %run_scoped3A_69 = arith.constant 38 : i32
    "tpu.region"() ({
      %run_scoped3A_158 = tpu.sem_alloc : memref<!tpu.dma_semaphore, #tpu.memory_space<semaphore_mem>>
      %dma_start3A_159 = arith.constant 0 : i32
      %dma_start3A_160 = tpu.memref_slice %arg8[%run_scoped3A_69, %dma_start3A_159] : memref<40x128xi32, #tpu.memory_space<vmem>> -> memref<1x128xi32, #tpu.memory_space<vmem>>
      %dma_start3A_161 = tpu.memref_squeeze %dma_start3A_160 : memref<1x128xi32, #tpu.memory_space<vmem>> -> memref<128xi32, #tpu.memory_space<vmem>>
      %dma_start3A_162 = arith.constant 0 : i32
      %dma_start3A_163 = arith.constant 0 : i32
      %dma_start3A_164 = tpu.memref_slice %arg6[%dma_start3A_162, %dma_start3A_163] : memref<10240x128xf32, #tpu.memory_space<vmem_shared>> -> memref<10240x128xf32, #tpu.memory_space<vmem_shared>>
      tpu.enqueue_indirect_dma source(%arg9 : memref<128x128xf32, #tpu.memory_space<vmem>>) target(%dma_start3A_164 : memref<10240x128xf32, #tpu.memory_space<vmem_shared>>) offsets(%dma_start3A_161 : memref<128xi32, #tpu.memory_space<vmem>>) semaphore(%run_scoped3A_158 : memref<!tpu.dma_semaphore, #tpu.memory_space<semaphore_mem>>) {add = true}
      %dma_wait3A_165 = arith.constant 0 : i32
      %dma_wait3A_166 = tpu.memref_slice %arg8[%run_scoped3A_69, %dma_wait3A_165] : memref<40x128xi32, #tpu.memory_space<vmem>> -> memref<1x128xi32, #tpu.memory_space<vmem>>
      %dma_wait3A_167 = tpu.memref_squeeze %dma_wait3A_166 : memref<1x128xi32, #tpu.memory_space<vmem>> -> memref<128xi32, #tpu.memory_space<vmem>>
      %dma_wait3A_168 = arith.constant 0 : i32
      %dma_wait3A_169 = arith.constant 0 : i32
      %dma_wait3A_170 = tpu.memref_slice %arg6[%dma_wait3A_168, %dma_wait3A_169] : memref<10240x128xf32, #tpu.memory_space<vmem_shared>> -> memref<10240x128xf32, #tpu.memory_space<vmem_shared>>
      tpu.wait_indirect_dma semaphore(%run_scoped3A_158 : memref<!tpu.dma_semaphore, #tpu.memory_space<semaphore_mem>>) src(%arg9 : memref<128x128xf32, #tpu.memory_space<vmem>>) dst(%dma_wait3A_170 : memref<10240x128xf32, #tpu.memory_space<vmem_shared>>)
      tpu.yield
    }) : () -> ()
    %dma_wait3A_70 = arith.constant 0 : i32
    %dma_wait3A_71 = arith.constant 0 : i32
    %dma_wait3A_72 = tpu.memref_slice %arg2[%dma_wait3A_70, %dma_wait3A_71] : memref<20480x128xf32, #tpu.memory_space<hbm>> -> memref<128x128xf32, #tpu.memory_space<hbm>>
    %dma_wait3A_73 = arith.constant 0 : i32
    %dma_wait3A_74 = arith.constant 0 : i32
    %dma_wait3A_75 = tpu.memref_slice %arg2[%dma_wait3A_73, %dma_wait3A_74] : memref<20480x128xf32, #tpu.memory_space<hbm>> -> memref<128x128xf32, #tpu.memory_space<hbm>>
    tpu.wait_dma2 semaphore(%arg13 : memref<!tpu.dma_semaphore, #tpu.memory_space<semaphore_mem>>) src(%dma_wait3A_75 : memref<128x128xf32, #tpu.memory_space<hbm>>) dst(%arg10 : memref<128x128xf32, #tpu.memory_space<vmem>>)
    %run_scoped3A_76 = arith.constant 39 : i32
    "tpu.region"() ({
      %run_scoped3A_158 = tpu.sem_alloc : memref<!tpu.dma_semaphore, #tpu.memory_space<semaphore_mem>>
      %dma_start3A_159 = arith.constant 0 : i32
      %dma_start3A_160 = tpu.memref_slice %arg8[%run_scoped3A_76, %dma_start3A_159] : memref<40x128xi32, #tpu.memory_space<vmem>> -> memref<1x128xi32, #tpu.memory_space<vmem>>
      %dma_start3A_161 = tpu.memref_squeeze %dma_start3A_160 : memref<1x128xi32, #tpu.memory_space<vmem>> -> memref<128xi32, #tpu.memory_space<vmem>>
      %dma_start3A_162 = arith.constant 0 : i32
      %dma_start3A_163 = arith.constant 0 : i32
      %dma_start3A_164 = tpu.memref_slice %arg6[%dma_start3A_162, %dma_start3A_163] : memref<10240x128xf32, #tpu.memory_space<vmem_shared>> -> memref<10240x128xf32, #tpu.memory_space<vmem_shared>>
      tpu.enqueue_indirect_dma source(%arg10 : memref<128x128xf32, #tpu.memory_space<vmem>>) target(%dma_start3A_164 : memref<10240x128xf32, #tpu.memory_space<vmem_shared>>) offsets(%dma_start3A_161 : memref<128xi32, #tpu.memory_space<vmem>>) semaphore(%run_scoped3A_158 : memref<!tpu.dma_semaphore, #tpu.memory_space<semaphore_mem>>) {add = true}
      %dma_wait3A_165 = arith.constant 0 : i32
      %dma_wait3A_166 = tpu.memref_slice %arg8[%run_scoped3A_76, %dma_wait3A_165] : memref<40x128xi32, #tpu.memory_space<vmem>> -> memref<1x128xi32, #tpu.memory_space<vmem>>
      %dma_wait3A_167 = tpu.memref_squeeze %dma_wait3A_166 : memref<1x128xi32, #tpu.memory_space<vmem>> -> memref<128xi32, #tpu.memory_space<vmem>>
      %dma_wait3A_168 = arith.constant 0 : i32
      %dma_wait3A_169 = arith.constant 0 : i32
      %dma_wait3A_170 = tpu.memref_slice %arg6[%dma_wait3A_168, %dma_wait3A_169] : memref<10240x128xf32, #tpu.memory_space<vmem_shared>> -> memref<10240x128xf32, #tpu.memory_space<vmem_shared>>
      tpu.wait_indirect_dma semaphore(%run_scoped3A_158 : memref<!tpu.dma_semaphore, #tpu.memory_space<semaphore_mem>>) src(%arg10 : memref<128x128xf32, #tpu.memory_space<vmem>>) dst(%dma_wait3A_170 : memref<10240x128xf32, #tpu.memory_space<vmem_shared>>)
      tpu.yield
    }) : () -> ()
    %mul3A_77 = arith.constant 160 : i32
    %mul3A_78 = arith.muli %arg1, %mul3A_77 : i32
    %add3A_79 = arith.constant 80 : i32
    %add3A_80 = arith.addi %mul3A_78, %add3A_79 : i32
    "tpu.region"() ({
      %run_scoped3A_158 = tpu.sem_alloc : memref<!tpu.dma_semaphore, #tpu.memory_space<semaphore_mem>>
      %dma_start3A_159 = arith.constant 0 : i32
      %dma_start3A_160 = tpu.memref_slice %arg3[%arg0, %add3A_80, %dma_start3A_159] : memref<2x2560x128xi32, #tpu.memory_space<hbm>> -> memref<1x40x128xi32, #tpu.memory_space<hbm>>
      %dma_start3A_161 = tpu.memref_squeeze %dma_start3A_160 : memref<1x40x128xi32, #tpu.memory_space<hbm>> -> memref<40x128xi32, #tpu.memory_space<hbm>>
      %dma_start3A_162 = arith.constant 0 : i32
      %dma_start3A_163 = tpu.memref_slice %arg3[%arg0, %add3A_80, %dma_start3A_162] : memref<2x2560x128xi32, #tpu.memory_space<hbm>> -> memref<1x40x128xi32, #tpu.memory_space<hbm>>
      %dma_start3A_164 = tpu.memref_squeeze %dma_start3A_163 : memref<1x40x128xi32, #tpu.memory_space<hbm>> -> memref<40x128xi32, #tpu.memory_space<hbm>>
      tpu.enqueue_dma source(%dma_start3A_164 : memref<40x128xi32, #tpu.memory_space<hbm>>) target(%arg7 : memref<40x128xi32, #tpu.memory_space<vmem>>) target_semaphore(%run_scoped3A_158 : memref<!tpu.dma_semaphore, #tpu.memory_space<semaphore_mem>>)
      %dma_wait3A_165 = arith.constant 0 : i32
      %dma_wait3A_166 = tpu.memref_slice %arg3[%arg0, %add3A_80, %dma_wait3A_165] : memref<2x2560x128xi32, #tpu.memory_space<hbm>> -> memref<1x40x128xi32, #tpu.memory_space<hbm>>
      %dma_wait3A_167 = tpu.memref_squeeze %dma_wait3A_166 : memref<1x40x128xi32, #tpu.memory_space<hbm>> -> memref<40x128xi32, #tpu.memory_space<hbm>>
      %dma_wait3A_168 = arith.constant 0 : i32
      %dma_wait3A_169 = tpu.memref_slice %arg3[%arg0, %add3A_80, %dma_wait3A_168] : memref<2x2560x128xi32, #tpu.memory_space<hbm>> -> memref<1x40x128xi32, #tpu.memory_space<hbm>>
      %dma_wait3A_170 = tpu.memref_squeeze %dma_wait3A_169 : memref<1x40x128xi32, #tpu.memory_space<hbm>> -> memref<40x128xi32, #tpu.memory_space<hbm>>
      tpu.wait_dma2 semaphore(%run_scoped3A_158 : memref<!tpu.dma_semaphore, #tpu.memory_space<semaphore_mem>>) src(%dma_wait3A_170 : memref<40x128xi32, #tpu.memory_space<hbm>>) dst(%arg7 : memref<40x128xi32, #tpu.memory_space<vmem>>)
      tpu.yield
    }) : () -> ()
    "tpu.region"() ({
      %run_scoped3A_158 = tpu.sem_alloc : memref<!tpu.dma_semaphore, #tpu.memory_space<semaphore_mem>>
      %dma_start3A_159 = arith.constant 0 : i32
      %dma_start3A_160 = tpu.memref_slice %arg4[%arg0, %add3A_80, %dma_start3A_159] : memref<2x2560x128xi32, #tpu.memory_space<hbm>> -> memref<1x40x128xi32, #tpu.memory_space<hbm>>
      %dma_start3A_161 = tpu.memref_squeeze %dma_start3A_160 : memref<1x40x128xi32, #tpu.memory_space<hbm>> -> memref<40x128xi32, #tpu.memory_space<hbm>>
      %dma_start3A_162 = arith.constant 0 : i32
      %dma_start3A_163 = tpu.memref_slice %arg4[%arg0, %add3A_80, %dma_start3A_162] : memref<2x2560x128xi32, #tpu.memory_space<hbm>> -> memref<1x40x128xi32, #tpu.memory_space<hbm>>
      %dma_start3A_164 = tpu.memref_squeeze %dma_start3A_163 : memref<1x40x128xi32, #tpu.memory_space<hbm>> -> memref<40x128xi32, #tpu.memory_space<hbm>>
      tpu.enqueue_dma source(%dma_start3A_164 : memref<40x128xi32, #tpu.memory_space<hbm>>) target(%arg8 : memref<40x128xi32, #tpu.memory_space<vmem>>) target_semaphore(%run_scoped3A_158 : memref<!tpu.dma_semaphore, #tpu.memory_space<semaphore_mem>>)
      %dma_wait3A_165 = arith.constant 0 : i32
      %dma_wait3A_166 = tpu.memref_slice %arg4[%arg0, %add3A_80, %dma_wait3A_165] : memref<2x2560x128xi32, #tpu.memory_space<hbm>> -> memref<1x40x128xi32, #tpu.memory_space<hbm>>
      %dma_wait3A_167 = tpu.memref_squeeze %dma_wait3A_166 : memref<1x40x128xi32, #tpu.memory_space<hbm>> -> memref<40x128xi32, #tpu.memory_space<hbm>>
      %dma_wait3A_168 = arith.constant 0 : i32
      %dma_wait3A_169 = tpu.memref_slice %arg4[%arg0, %add3A_80, %dma_wait3A_168] : memref<2x2560x128xi32, #tpu.memory_space<hbm>> -> memref<1x40x128xi32, #tpu.memory_space<hbm>>
      %dma_wait3A_170 = tpu.memref_squeeze %dma_wait3A_169 : memref<1x40x128xi32, #tpu.memory_space<hbm>> -> memref<40x128xi32, #tpu.memory_space<hbm>>
      tpu.wait_dma2 semaphore(%run_scoped3A_158 : memref<!tpu.dma_semaphore, #tpu.memory_space<semaphore_mem>>) src(%dma_wait3A_170 : memref<40x128xi32, #tpu.memory_space<hbm>>) dst(%arg8 : memref<40x128xi32, #tpu.memory_space<vmem>>)
      tpu.yield
    }) : () -> ()
    %dma_start3A_81 = arith.constant 0 : i32
    %dma_start3A_82 = arith.constant 0 : i32
    %dma_start3A_83 = tpu.memref_slice %arg7[%dma_start3A_81, %dma_start3A_82] : memref<40x128xi32, #tpu.memory_space<vmem>> -> memref<1x128xi32, #tpu.memory_space<vmem>>
    %dma_start3A_84 = tpu.memref_squeeze %dma_start3A_83 : memref<1x128xi32, #tpu.memory_space<vmem>> -> memref<128xi32, #tpu.memory_space<vmem>>
    %dma_start3A_85 = arith.constant 0 : i32
    %dma_start3A_86 = arith.constant 0 : i32
    %dma_start3A_87 = tpu.memref_slice %arg2[%dma_start3A_85, %dma_start3A_86] : memref<20480x128xf32, #tpu.memory_space<hbm>> -> memref<20480x128xf32, #tpu.memory_space<hbm>>
    tpu.enqueue_indirect_dma source(%dma_start3A_87 : memref<20480x128xf32, #tpu.memory_space<hbm>>) target(%arg9 : memref<128x128xf32, #tpu.memory_space<vmem>>) offsets(%dma_start3A_84 : memref<128xi32, #tpu.memory_space<vmem>>) semaphore(%arg11 : memref<!tpu.dma_semaphore, #tpu.memory_space<semaphore_mem>>)
    %scan3A_88 = arith.constant 0 : i32
    %scan3A_89 = arith.constant 0 : i32
    %scan3A_90 = arith.constant 19 : i32
    %scan3A_91 = arith.addi %scan3A_89, %scan3A_90 : i32
    %scan3A_92 = arith.constant 1 : i32
    scf.for %scan3A_158 = %scan3A_89 to %scan3A_91 step %scan3A_92  : i32 {
      %mul3A_159 = arith.constant 2 : i32
      %mul3A_160 = arith.muli %mul3A_159, %scan3A_158 : i32
      %add3A_161 = arith.constant 1 : i32
      %add3A_162 = arith.addi %mul3A_160, %add3A_161 : i32
      %dma_start3A_163 = arith.constant 0 : i32
      %dma_start3A_164 = tpu.memref_slice %arg7[%add3A_162, %dma_start3A_163] : memref<40x128xi32, #tpu.memory_space<vmem>> -> memref<1x128xi32, #tpu.memory_space<vmem>>
      %dma_start3A_165 = tpu.memref_squeeze %dma_start3A_164 : memref<1x128xi32, #tpu.memory_space<vmem>> -> memref<128xi32, #tpu.memory_space<vmem>>
      %dma_start3A_166 = arith.constant 0 : i32
      %dma_start3A_167 = arith.constant 0 : i32
      %dma_start3A_168 = tpu.memref_slice %arg2[%dma_start3A_166, %dma_start3A_167] : memref<20480x128xf32, #tpu.memory_space<hbm>> -> memref<20480x128xf32, #tpu.memory_space<hbm>>
      tpu.enqueue_indirect_dma source(%dma_start3A_168 : memref<20480x128xf32, #tpu.memory_space<hbm>>) target(%arg10 : memref<128x128xf32, #tpu.memory_space<vmem>>) offsets(%dma_start3A_165 : memref<128xi32, #tpu.memory_space<vmem>>) semaphore(%arg13 : memref<!tpu.dma_semaphore, #tpu.memory_space<semaphore_mem>>)
      %dma_wait3A_169 = arith.constant 0 : i32
      %dma_wait3A_170 = arith.constant 0 : i32
      %dma_wait3A_171 = tpu.memref_slice %arg2[%dma_wait3A_169, %dma_wait3A_170] : memref<20480x128xf32, #tpu.memory_space<hbm>> -> memref<128x128xf32, #tpu.memory_space<hbm>>
      %dma_wait3A_172 = arith.constant 0 : i32
      %dma_wait3A_173 = arith.constant 0 : i32
      %dma_wait3A_174 = tpu.memref_slice %arg2[%dma_wait3A_172, %dma_wait3A_173] : memref<20480x128xf32, #tpu.memory_space<hbm>> -> memref<128x128xf32, #tpu.memory_space<hbm>>
      tpu.wait_dma2 semaphore(%arg11 : memref<!tpu.dma_semaphore, #tpu.memory_space<semaphore_mem>>) src(%dma_wait3A_174 : memref<128x128xf32, #tpu.memory_space<hbm>>) dst(%arg9 : memref<128x128xf32, #tpu.memory_space<vmem>>)
      "tpu.region"() ({
        %run_scoped3A_191 = tpu.sem_alloc : memref<!tpu.dma_semaphore, #tpu.memory_space<semaphore_mem>>
        %dma_start3A_192 = arith.constant 0 : i32
        %dma_start3A_193 = tpu.memref_slice %arg8[%mul3A_160, %dma_start3A_192] : memref<40x128xi32, #tpu.memory_space<vmem>> -> memref<1x128xi32, #tpu.memory_space<vmem>>
        %dma_start3A_194 = tpu.memref_squeeze %dma_start3A_193 : memref<1x128xi32, #tpu.memory_space<vmem>> -> memref<128xi32, #tpu.memory_space<vmem>>
        %dma_start3A_195 = arith.constant 0 : i32
        %dma_start3A_196 = arith.constant 0 : i32
        %dma_start3A_197 = tpu.memref_slice %arg6[%dma_start3A_195, %dma_start3A_196] : memref<10240x128xf32, #tpu.memory_space<vmem_shared>> -> memref<10240x128xf32, #tpu.memory_space<vmem_shared>>
        tpu.enqueue_indirect_dma source(%arg9 : memref<128x128xf32, #tpu.memory_space<vmem>>) target(%dma_start3A_197 : memref<10240x128xf32, #tpu.memory_space<vmem_shared>>) offsets(%dma_start3A_194 : memref<128xi32, #tpu.memory_space<vmem>>) semaphore(%run_scoped3A_191 : memref<!tpu.dma_semaphore, #tpu.memory_space<semaphore_mem>>) {add = true}
        %dma_wait3A_198 = arith.constant 0 : i32
        %dma_wait3A_199 = tpu.memref_slice %arg8[%mul3A_160, %dma_wait3A_198] : memref<40x128xi32, #tpu.memory_space<vmem>> -> memref<1x128xi32, #tpu.memory_space<vmem>>
        %dma_wait3A_200 = tpu.memref_squeeze %dma_wait3A_199 : memref<1x128xi32, #tpu.memory_space<vmem>> -> memref<128xi32, #tpu.memory_space<vmem>>
        %dma_wait3A_201 = arith.constant 0 : i32
        %dma_wait3A_202 = arith.constant 0 : i32
        %dma_wait3A_203 = tpu.memref_slice %arg6[%dma_wait3A_201, %dma_wait3A_202] : memref<10240x128xf32, #tpu.memory_space<vmem_shared>> -> memref<10240x128xf32, #tpu.memory_space<vmem_shared>>
        tpu.wait_indirect_dma semaphore(%run_scoped3A_191 : memref<!tpu.dma_semaphore, #tpu.memory_space<semaphore_mem>>) src(%arg9 : memref<128x128xf32, #tpu.memory_space<vmem>>) dst(%dma_wait3A_203 : memref<10240x128xf32, #tpu.memory_space<vmem_shared>>)
        tpu.yield
      }) : () -> ()
      %add3A_175 = arith.constant 2 : i32
      %add3A_176 = arith.addi %mul3A_160, %add3A_175 : i32
      %dma_start3A_177 = arith.constant 0 : i32
      %dma_start3A_178 = tpu.memref_slice %arg7[%add3A_176, %dma_start3A_177] : memref<40x128xi32, #tpu.memory_space<vmem>> -> memref<1x128xi32, #tpu.memory_space<vmem>>
      %dma_start3A_179 = tpu.memref_squeeze %dma_start3A_178 : memref<1x128xi32, #tpu.memory_space<vmem>> -> memref<128xi32, #tpu.memory_space<vmem>>
      %dma_start3A_180 = arith.constant 0 : i32
      %dma_start3A_181 = arith.constant 0 : i32
      %dma_start3A_182 = tpu.memref_slice %arg2[%dma_start3A_180, %dma_start3A_181] : memref<20480x128xf32, #tpu.memory_space<hbm>> -> memref<20480x128xf32, #tpu.memory_space<hbm>>
      tpu.enqueue_indirect_dma source(%dma_start3A_182 : memref<20480x128xf32, #tpu.memory_space<hbm>>) target(%arg9 : memref<128x128xf32, #tpu.memory_space<vmem>>) offsets(%dma_start3A_179 : memref<128xi32, #tpu.memory_space<vmem>>) semaphore(%arg11 : memref<!tpu.dma_semaphore, #tpu.memory_space<semaphore_mem>>)
      %add3A_183 = arith.constant 1 : i32
      %add3A_184 = arith.addi %mul3A_160, %add3A_183 : i32
      %dma_wait3A_185 = arith.constant 0 : i32
      %dma_wait3A_186 = arith.constant 0 : i32
      %dma_wait3A_187 = tpu.memref_slice %arg2[%dma_wait3A_185, %dma_wait3A_186] : memref<20480x128xf32, #tpu.memory_space<hbm>> -> memref<128x128xf32, #tpu.memory_space<hbm>>
      %dma_wait3A_188 = arith.constant 0 : i32
      %dma_wait3A_189 = arith.constant 0 : i32
      %dma_wait3A_190 = tpu.memref_slice %arg2[%dma_wait3A_188, %dma_wait3A_189] : memref<20480x128xf32, #tpu.memory_space<hbm>> -> memref<128x128xf32, #tpu.memory_space<hbm>>
      tpu.wait_dma2 semaphore(%arg13 : memref<!tpu.dma_semaphore, #tpu.memory_space<semaphore_mem>>) src(%dma_wait3A_190 : memref<128x128xf32, #tpu.memory_space<hbm>>) dst(%arg10 : memref<128x128xf32, #tpu.memory_space<vmem>>)
      "tpu.region"() ({
        %run_scoped3A_191 = tpu.sem_alloc : memref<!tpu.dma_semaphore, #tpu.memory_space<semaphore_mem>>
        %dma_start3A_192 = arith.constant 0 : i32
        %dma_start3A_193 = tpu.memref_slice %arg8[%add3A_184, %dma_start3A_192] : memref<40x128xi32, #tpu.memory_space<vmem>> -> memref<1x128xi32, #tpu.memory_space<vmem>>
        %dma_start3A_194 = tpu.memref_squeeze %dma_start3A_193 : memref<1x128xi32, #tpu.memory_space<vmem>> -> memref<128xi32, #tpu.memory_space<vmem>>
        %dma_start3A_195 = arith.constant 0 : i32
        %dma_start3A_196 = arith.constant 0 : i32
        %dma_start3A_197 = tpu.memref_slice %arg6[%dma_start3A_195, %dma_start3A_196] : memref<10240x128xf32, #tpu.memory_space<vmem_shared>> -> memref<10240x128xf32, #tpu.memory_space<vmem_shared>>
        tpu.enqueue_indirect_dma source(%arg10 : memref<128x128xf32, #tpu.memory_space<vmem>>) target(%dma_start3A_197 : memref<10240x128xf32, #tpu.memory_space<vmem_shared>>) offsets(%dma_start3A_194 : memref<128xi32, #tpu.memory_space<vmem>>) semaphore(%run_scoped3A_191 : memref<!tpu.dma_semaphore, #tpu.memory_space<semaphore_mem>>) {add = true}
        %dma_wait3A_198 = arith.constant 0 : i32
        %dma_wait3A_199 = tpu.memref_slice %arg8[%add3A_184, %dma_wait3A_198] : memref<40x128xi32, #tpu.memory_space<vmem>> -> memref<1x128xi32, #tpu.memory_space<vmem>>
        %dma_wait3A_200 = tpu.memref_squeeze %dma_wait3A_199 : memref<1x128xi32, #tpu.memory_space<vmem>> -> memref<128xi32, #tpu.memory_space<vmem>>
        %dma_wait3A_201 = arith.constant 0 : i32
        %dma_wait3A_202 = arith.constant 0 : i32
        %dma_wait3A_203 = tpu.memref_slice %arg6[%dma_wait3A_201, %dma_wait3A_202] : memref<10240x128xf32, #tpu.memory_space<vmem_shared>> -> memref<10240x128xf32, #tpu.memory_space<vmem_shared>>
        tpu.wait_indirect_dma semaphore(%run_scoped3A_191 : memref<!tpu.dma_semaphore, #tpu.memory_space<semaphore_mem>>) src(%arg10 : memref<128x128xf32, #tpu.memory_space<vmem>>) dst(%dma_wait3A_203 : memref<10240x128xf32, #tpu.memory_space<vmem_shared>>)
        tpu.yield
      }) : () -> ()
    }
    %scan3A_93 = arith.constant 19 : i32
    %dma_start3A_94 = arith.constant 39 : i32
    %dma_start3A_95 = arith.constant 0 : i32
    %dma_start3A_96 = tpu.memref_slice %arg7[%dma_start3A_94, %dma_start3A_95] : memref<40x128xi32, #tpu.memory_space<vmem>> -> memref<1x128xi32, #tpu.memory_space<vmem>>
    %dma_start3A_97 = tpu.memref_squeeze %dma_start3A_96 : memref<1x128xi32, #tpu.memory_space<vmem>> -> memref<128xi32, #tpu.memory_space<vmem>>
    %dma_start3A_98 = arith.constant 0 : i32
    %dma_start3A_99 = arith.constant 0 : i32
    %dma_start3A_100 = tpu.memref_slice %arg2[%dma_start3A_98, %dma_start3A_99] : memref<20480x128xf32, #tpu.memory_space<hbm>> -> memref<20480x128xf32, #tpu.memory_space<hbm>>
    tpu.enqueue_indirect_dma source(%dma_start3A_100 : memref<20480x128xf32, #tpu.memory_space<hbm>>) target(%arg10 : memref<128x128xf32, #tpu.memory_space<vmem>>) offsets(%dma_start3A_97 : memref<128xi32, #tpu.memory_space<vmem>>) semaphore(%arg13 : memref<!tpu.dma_semaphore, #tpu.memory_space<semaphore_mem>>)
    %dma_wait3A_101 = arith.constant 0 : i32
    %dma_wait3A_102 = arith.constant 0 : i32
    %dma_wait3A_103 = tpu.memref_slice %arg2[%dma_wait3A_101, %dma_wait3A_102] : memref<20480x128xf32, #tpu.memory_space<hbm>> -> memref<128x128xf32, #tpu.memory_space<hbm>>
    %dma_wait3A_104 = arith.constant 0 : i32
    %dma_wait3A_105 = arith.constant 0 : i32
    %dma_wait3A_106 = tpu.memref_slice %arg2[%dma_wait3A_104, %dma_wait3A_105] : memref<20480x128xf32, #tpu.memory_space<hbm>> -> memref<128x128xf32, #tpu.memory_space<hbm>>
    tpu.wait_dma2 semaphore(%arg11 : memref<!tpu.dma_semaphore, #tpu.memory_space<semaphore_mem>>) src(%dma_wait3A_106 : memref<128x128xf32, #tpu.memory_space<hbm>>) dst(%arg9 : memref<128x128xf32, #tpu.memory_space<vmem>>)
    %run_scoped3A_107 = arith.constant 38 : i32
    "tpu.region"() ({
      %run_scoped3A_158 = tpu.sem_alloc : memref<!tpu.dma_semaphore, #tpu.memory_space<semaphore_mem>>
      %dma_start3A_159 = arith.constant 0 : i32
      %dma_start3A_160 = tpu.memref_slice %arg8[%run_scoped3A_107, %dma_start3A_159] : memref<40x128xi32, #tpu.memory_space<vmem>> -> memref<1x128xi32, #tpu.memory_space<vmem>>
      %dma_start3A_161 = tpu.memref_squeeze %dma_start3A_160 : memref<1x128xi32, #tpu.memory_space<vmem>> -> memref<128xi32, #tpu.memory_space<vmem>>
      %dma_start3A_162 = arith.constant 0 : i32
      %dma_start3A_163 = arith.constant 0 : i32
      %dma_start3A_164 = tpu.memref_slice %arg6[%dma_start3A_162, %dma_start3A_163] : memref<10240x128xf32, #tpu.memory_space<vmem_shared>> -> memref<10240x128xf32, #tpu.memory_space<vmem_shared>>
      tpu.enqueue_indirect_dma source(%arg9 : memref<128x128xf32, #tpu.memory_space<vmem>>) target(%dma_start3A_164 : memref<10240x128xf32, #tpu.memory_space<vmem_shared>>) offsets(%dma_start3A_161 : memref<128xi32, #tpu.memory_space<vmem>>) semaphore(%run_scoped3A_158 : memref<!tpu.dma_semaphore, #tpu.memory_space<semaphore_mem>>) {add = true}
      %dma_wait3A_165 = arith.constant 0 : i32
      %dma_wait3A_166 = tpu.memref_slice %arg8[%run_scoped3A_107, %dma_wait3A_165] : memref<40x128xi32, #tpu.memory_space<vmem>> -> memref<1x128xi32, #tpu.memory_space<vmem>>
      %dma_wait3A_167 = tpu.memref_squeeze %dma_wait3A_166 : memref<1x128xi32, #tpu.memory_space<vmem>> -> memref<128xi32, #tpu.memory_space<vmem>>
      %dma_wait3A_168 = arith.constant 0 : i32
      %dma_wait3A_169 = arith.constant 0 : i32
      %dma_wait3A_170 = tpu.memref_slice %arg6[%dma_wait3A_168, %dma_wait3A_169] : memref<10240x128xf32, #tpu.memory_space<vmem_shared>> -> memref<10240x128xf32, #tpu.memory_space<vmem_shared>>
      tpu.wait_indirect_dma semaphore(%run_scoped3A_158 : memref<!tpu.dma_semaphore, #tpu.memory_space<semaphore_mem>>) src(%arg9 : memref<128x128xf32, #tpu.memory_space<vmem>>) dst(%dma_wait3A_170 : memref<10240x128xf32, #tpu.memory_space<vmem_shared>>)
      tpu.yield
    }) : () -> ()
    %dma_wait3A_108 = arith.constant 0 : i32
    %dma_wait3A_109 = arith.constant 0 : i32
    %dma_wait3A_110 = tpu.memref_slice %arg2[%dma_wait3A_108, %dma_wait3A_109] : memref<20480x128xf32, #tpu.memory_space<hbm>> -> memref<128x128xf32, #tpu.memory_space<hbm>>
    %dma_wait3A_111 = arith.constant 0 : i32
    %dma_wait3A_112 = arith.constant 0 : i32
    %dma_wait3A_113 = tpu.memref_slice %arg2[%dma_wait3A_111, %dma_wait3A_112] : memref<20480x128xf32, #tpu.memory_space<hbm>> -> memref<128x128xf32, #tpu.memory_space<hbm>>
    tpu.wait_dma2 semaphore(%arg13 : memref<!tpu.dma_semaphore, #tpu.memory_space<semaphore_mem>>) src(%dma_wait3A_113 : memref<128x128xf32, #tpu.memory_space<hbm>>) dst(%arg10 : memref<128x128xf32, #tpu.memory_space<vmem>>)
    %run_scoped3A_114 = arith.constant 39 : i32
    "tpu.region"() ({
      %run_scoped3A_158 = tpu.sem_alloc : memref<!tpu.dma_semaphore, #tpu.memory_space<semaphore_mem>>
      %dma_start3A_159 = arith.constant 0 : i32
      %dma_start3A_160 = tpu.memref_slice %arg8[%run_scoped3A_114, %dma_start3A_159] : memref<40x128xi32, #tpu.memory_space<vmem>> -> memref<1x128xi32, #tpu.memory_space<vmem>>
      %dma_start3A_161 = tpu.memref_squeeze %dma_start3A_160 : memref<1x128xi32, #tpu.memory_space<vmem>> -> memref<128xi32, #tpu.memory_space<vmem>>
      %dma_start3A_162 = arith.constant 0 : i32
      %dma_start3A_163 = arith.constant 0 : i32
      %dma_start3A_164 = tpu.memref_slice %arg6[%dma_start3A_162, %dma_start3A_163] : memref<10240x128xf32, #tpu.memory_space<vmem_shared>> -> memref<10240x128xf32, #tpu.memory_space<vmem_shared>>
      tpu.enqueue_indirect_dma source(%arg10 : memref<128x128xf32, #tpu.memory_space<vmem>>) target(%dma_start3A_164 : memref<10240x128xf32, #tpu.memory_space<vmem_shared>>) offsets(%dma_start3A_161 : memref<128xi32, #tpu.memory_space<vmem>>) semaphore(%run_scoped3A_158 : memref<!tpu.dma_semaphore, #tpu.memory_space<semaphore_mem>>) {add = true}
      %dma_wait3A_165 = arith.constant 0 : i32
      %dma_wait3A_166 = tpu.memref_slice %arg8[%run_scoped3A_114, %dma_wait3A_165] : memref<40x128xi32, #tpu.memory_space<vmem>> -> memref<1x128xi32, #tpu.memory_space<vmem>>
      %dma_wait3A_167 = tpu.memref_squeeze %dma_wait3A_166 : memref<1x128xi32, #tpu.memory_space<vmem>> -> memref<128xi32, #tpu.memory_space<vmem>>
      %dma_wait3A_168 = arith.constant 0 : i32
      %dma_wait3A_169 = arith.constant 0 : i32
      %dma_wait3A_170 = tpu.memref_slice %arg6[%dma_wait3A_168, %dma_wait3A_169] : memref<10240x128xf32, #tpu.memory_space<vmem_shared>> -> memref<10240x128xf32, #tpu.memory_space<vmem_shared>>
      tpu.wait_indirect_dma semaphore(%run_scoped3A_158 : memref<!tpu.dma_semaphore, #tpu.memory_space<semaphore_mem>>) src(%arg10 : memref<128x128xf32, #tpu.memory_space<vmem>>) dst(%dma_wait3A_170 : memref<10240x128xf32, #tpu.memory_space<vmem_shared>>)
      tpu.yield
    }) : () -> ()
    %mul3A_115 = arith.constant 160 : i32
    %mul3A_116 = arith.muli %arg1, %mul3A_115 : i32
    %add3A_117 = arith.constant 120 : i32
    %add3A_118 = arith.addi %mul3A_116, %add3A_117 : i32
    "tpu.region"() ({
      %run_scoped3A_158 = tpu.sem_alloc : memref<!tpu.dma_semaphore, #tpu.memory_space<semaphore_mem>>
      %dma_start3A_159 = arith.constant 0 : i32
      %dma_start3A_160 = tpu.memref_slice %arg3[%arg0, %add3A_118, %dma_start3A_159] : memref<2x2560x128xi32, #tpu.memory_space<hbm>> -> memref<1x40x128xi32, #tpu.memory_space<hbm>>
      %dma_start3A_161 = tpu.memref_squeeze %dma_start3A_160 : memref<1x40x128xi32, #tpu.memory_space<hbm>> -> memref<40x128xi32, #tpu.memory_space<hbm>>
      %dma_start3A_162 = arith.constant 0 : i32
      %dma_start3A_163 = tpu.memref_slice %arg3[%arg0, %add3A_118, %dma_start3A_162] : memref<2x2560x128xi32, #tpu.memory_space<hbm>> -> memref<1x40x128xi32, #tpu.memory_space<hbm>>
      %dma_start3A_164 = tpu.memref_squeeze %dma_start3A_163 : memref<1x40x128xi32, #tpu.memory_space<hbm>> -> memref<40x128xi32, #tpu.memory_space<hbm>>
      tpu.enqueue_dma source(%dma_start3A_164 : memref<40x128xi32, #tpu.memory_space<hbm>>) target(%arg7 : memref<40x128xi32, #tpu.memory_space<vmem>>) target_semaphore(%run_scoped3A_158 : memref<!tpu.dma_semaphore, #tpu.memory_space<semaphore_mem>>)
      %dma_wait3A_165 = arith.constant 0 : i32
      %dma_wait3A_166 = tpu.memref_slice %arg3[%arg0, %add3A_118, %dma_wait3A_165] : memref<2x2560x128xi32, #tpu.memory_space<hbm>> -> memref<1x40x128xi32, #tpu.memory_space<hbm>>
      %dma_wait3A_167 = tpu.memref_squeeze %dma_wait3A_166 : memref<1x40x128xi32, #tpu.memory_space<hbm>> -> memref<40x128xi32, #tpu.memory_space<hbm>>
      %dma_wait3A_168 = arith.constant 0 : i32
      %dma_wait3A_169 = tpu.memref_slice %arg3[%arg0, %add3A_118, %dma_wait3A_168] : memref<2x2560x128xi32, #tpu.memory_space<hbm>> -> memref<1x40x128xi32, #tpu.memory_space<hbm>>
      %dma_wait3A_170 = tpu.memref_squeeze %dma_wait3A_169 : memref<1x40x128xi32, #tpu.memory_space<hbm>> -> memref<40x128xi32, #tpu.memory_space<hbm>>
      tpu.wait_dma2 semaphore(%run_scoped3A_158 : memref<!tpu.dma_semaphore, #tpu.memory_space<semaphore_mem>>) src(%dma_wait3A_170 : memref<40x128xi32, #tpu.memory_space<hbm>>) dst(%arg7 : memref<40x128xi32, #tpu.memory_space<vmem>>)
      tpu.yield
    }) : () -> ()
    "tpu.region"() ({
      %run_scoped3A_158 = tpu.sem_alloc : memref<!tpu.dma_semaphore, #tpu.memory_space<semaphore_mem>>
      %dma_start3A_159 = arith.constant 0 : i32
      %dma_start3A_160 = tpu.memref_slice %arg4[%arg0, %add3A_118, %dma_start3A_159] : memref<2x2560x128xi32, #tpu.memory_space<hbm>> -> memref<1x40x128xi32, #tpu.memory_space<hbm>>
      %dma_start3A_161 = tpu.memref_squeeze %dma_start3A_160 : memref<1x40x128xi32, #tpu.memory_space<hbm>> -> memref<40x128xi32, #tpu.memory_space<hbm>>
      %dma_start3A_162 = arith.constant 0 : i32
      %dma_start3A_163 = tpu.memref_slice %arg4[%arg0, %add3A_118, %dma_start3A_162] : memref<2x2560x128xi32, #tpu.memory_space<hbm>> -> memref<1x40x128xi32, #tpu.memory_space<hbm>>
      %dma_start3A_164 = tpu.memref_squeeze %dma_start3A_163 : memref<1x40x128xi32, #tpu.memory_space<hbm>> -> memref<40x128xi32, #tpu.memory_space<hbm>>
      tpu.enqueue_dma source(%dma_start3A_164 : memref<40x128xi32, #tpu.memory_space<hbm>>) target(%arg8 : memref<40x128xi32, #tpu.memory_space<vmem>>) target_semaphore(%run_scoped3A_158 : memref<!tpu.dma_semaphore, #tpu.memory_space<semaphore_mem>>)
      %dma_wait3A_165 = arith.constant 0 : i32
      %dma_wait3A_166 = tpu.memref_slice %arg4[%arg0, %add3A_118, %dma_wait3A_165] : memref<2x2560x128xi32, #tpu.memory_space<hbm>> -> memref<1x40x128xi32, #tpu.memory_space<hbm>>
      %dma_wait3A_167 = tpu.memref_squeeze %dma_wait3A_166 : memref<1x40x128xi32, #tpu.memory_space<hbm>> -> memref<40x128xi32, #tpu.memory_space<hbm>>
      %dma_wait3A_168 = arith.constant 0 : i32
      %dma_wait3A_169 = tpu.memref_slice %arg4[%arg0, %add3A_118, %dma_wait3A_168] : memref<2x2560x128xi32, #tpu.memory_space<hbm>> -> memref<1x40x128xi32, #tpu.memory_space<hbm>>
      %dma_wait3A_170 = tpu.memref_squeeze %dma_wait3A_169 : memref<1x40x128xi32, #tpu.memory_space<hbm>> -> memref<40x128xi32, #tpu.memory_space<hbm>>
      tpu.wait_dma2 semaphore(%run_scoped3A_158 : memref<!tpu.dma_semaphore, #tpu.memory_space<semaphore_mem>>) src(%dma_wait3A_170 : memref<40x128xi32, #tpu.memory_space<hbm>>) dst(%arg8 : memref<40x128xi32, #tpu.memory_space<vmem>>)
      tpu.yield
    }) : () -> ()
    %dma_start3A_119 = arith.constant 0 : i32
    %dma_start3A_120 = arith.constant 0 : i32
    %dma_start3A_121 = tpu.memref_slice %arg7[%dma_start3A_119, %dma_start3A_120] : memref<40x128xi32, #tpu.memory_space<vmem>> -> memref<1x128xi32, #tpu.memory_space<vmem>>
    %dma_start3A_122 = tpu.memref_squeeze %dma_start3A_121 : memref<1x128xi32, #tpu.memory_space<vmem>> -> memref<128xi32, #tpu.memory_space<vmem>>
    %dma_start3A_123 = arith.constant 0 : i32
    %dma_start3A_124 = arith.constant 0 : i32
    %dma_start3A_125 = tpu.memref_slice %arg2[%dma_start3A_123, %dma_start3A_124] : memref<20480x128xf32, #tpu.memory_space<hbm>> -> memref<20480x128xf32, #tpu.memory_space<hbm>>
    tpu.enqueue_indirect_dma source(%dma_start3A_125 : memref<20480x128xf32, #tpu.memory_space<hbm>>) target(%arg9 : memref<128x128xf32, #tpu.memory_space<vmem>>) offsets(%dma_start3A_122 : memref<128xi32, #tpu.memory_space<vmem>>) semaphore(%arg11 : memref<!tpu.dma_semaphore, #tpu.memory_space<semaphore_mem>>)
    %scan3A_126 = arith.constant 0 : i32
    %scan3A_127 = arith.constant 0 : i32
    %scan3A_128 = arith.constant 19 : i32
    %scan3A_129 = arith.addi %scan3A_127, %scan3A_128 : i32
    %scan3A_130 = arith.constant 1 : i32
    scf.for %scan3A_158 = %scan3A_127 to %scan3A_129 step %scan3A_130  : i32 {
      %mul3A_159 = arith.constant 2 : i32
      %mul3A_160 = arith.muli %mul3A_159, %scan3A_158 : i32
      %add3A_161 = arith.constant 1 : i32
      %add3A_162 = arith.addi %mul3A_160, %add3A_161 : i32
      %dma_start3A_163 = arith.constant 0 : i32
      %dma_start3A_164 = tpu.memref_slice %arg7[%add3A_162, %dma_start3A_163] : memref<40x128xi32, #tpu.memory_space<vmem>> -> memref<1x128xi32, #tpu.memory_space<vmem>>
      %dma_start3A_165 = tpu.memref_squeeze %dma_start3A_164 : memref<1x128xi32, #tpu.memory_space<vmem>> -> memref<128xi32, #tpu.memory_space<vmem>>
      %dma_start3A_166 = arith.constant 0 : i32
      %dma_start3A_167 = arith.constant 0 : i32
      %dma_start3A_168 = tpu.memref_slice %arg2[%dma_start3A_166, %dma_start3A_167] : memref<20480x128xf32, #tpu.memory_space<hbm>> -> memref<20480x128xf32, #tpu.memory_space<hbm>>
      tpu.enqueue_indirect_dma source(%dma_start3A_168 : memref<20480x128xf32, #tpu.memory_space<hbm>>) target(%arg10 : memref<128x128xf32, #tpu.memory_space<vmem>>) offsets(%dma_start3A_165 : memref<128xi32, #tpu.memory_space<vmem>>) semaphore(%arg13 : memref<!tpu.dma_semaphore, #tpu.memory_space<semaphore_mem>>)
      %dma_wait3A_169 = arith.constant 0 : i32
      %dma_wait3A_170 = arith.constant 0 : i32
      %dma_wait3A_171 = tpu.memref_slice %arg2[%dma_wait3A_169, %dma_wait3A_170] : memref<20480x128xf32, #tpu.memory_space<hbm>> -> memref<128x128xf32, #tpu.memory_space<hbm>>
      %dma_wait3A_172 = arith.constant 0 : i32
      %dma_wait3A_173 = arith.constant 0 : i32
      %dma_wait3A_174 = tpu.memref_slice %arg2[%dma_wait3A_172, %dma_wait3A_173] : memref<20480x128xf32, #tpu.memory_space<hbm>> -> memref<128x128xf32, #tpu.memory_space<hbm>>
      tpu.wait_dma2 semaphore(%arg11 : memref<!tpu.dma_semaphore, #tpu.memory_space<semaphore_mem>>) src(%dma_wait3A_174 : memref<128x128xf32, #tpu.memory_space<hbm>>) dst(%arg9 : memref<128x128xf32, #tpu.memory_space<vmem>>)
      "tpu.region"() ({
        %run_scoped3A_191 = tpu.sem_alloc : memref<!tpu.dma_semaphore, #tpu.memory_space<semaphore_mem>>
        %dma_start3A_192 = arith.constant 0 : i32
        %dma_start3A_193 = tpu.memref_slice %arg8[%mul3A_160, %dma_start3A_192] : memref<40x128xi32, #tpu.memory_space<vmem>> -> memref<1x128xi32, #tpu.memory_space<vmem>>
        %dma_start3A_194 = tpu.memref_squeeze %dma_start3A_193 : memref<1x128xi32, #tpu.memory_space<vmem>> -> memref<128xi32, #tpu.memory_space<vmem>>
        %dma_start3A_195 = arith.constant 0 : i32
        %dma_start3A_196 = arith.constant 0 : i32
        %dma_start3A_197 = tpu.memref_slice %arg6[%dma_start3A_195, %dma_start3A_196] : memref<10240x128xf32, #tpu.memory_space<vmem_shared>> -> memref<10240x128xf32, #tpu.memory_space<vmem_shared>>
        tpu.enqueue_indirect_dma source(%arg9 : memref<128x128xf32, #tpu.memory_space<vmem>>) target(%dma_start3A_197 : memref<10240x128xf32, #tpu.memory_space<vmem_shared>>) offsets(%dma_start3A_194 : memref<128xi32, #tpu.memory_space<vmem>>) semaphore(%run_scoped3A_191 : memref<!tpu.dma_semaphore, #tpu.memory_space<semaphore_mem>>) {add = true}
        %dma_wait3A_198 = arith.constant 0 : i32
        %dma_wait3A_199 = tpu.memref_slice %arg8[%mul3A_160, %dma_wait3A_198] : memref<40x128xi32, #tpu.memory_space<vmem>> -> memref<1x128xi32, #tpu.memory_space<vmem>>
        %dma_wait3A_200 = tpu.memref_squeeze %dma_wait3A_199 : memref<1x128xi32, #tpu.memory_space<vmem>> -> memref<128xi32, #tpu.memory_space<vmem>>
        %dma_wait3A_201 = arith.constant 0 : i32
        %dma_wait3A_202 = arith.constant 0 : i32
        %dma_wait3A_203 = tpu.memref_slice %arg6[%dma_wait3A_201, %dma_wait3A_202] : memref<10240x128xf32, #tpu.memory_space<vmem_shared>> -> memref<10240x128xf32, #tpu.memory_space<vmem_shared>>
        tpu.wait_indirect_dma semaphore(%run_scoped3A_191 : memref<!tpu.dma_semaphore, #tpu.memory_space<semaphore_mem>>) src(%arg9 : memref<128x128xf32, #tpu.memory_space<vmem>>) dst(%dma_wait3A_203 : memref<10240x128xf32, #tpu.memory_space<vmem_shared>>)
        tpu.yield
      }) : () -> ()
      %add3A_175 = arith.constant 2 : i32
      %add3A_176 = arith.addi %mul3A_160, %add3A_175 : i32
      %dma_start3A_177 = arith.constant 0 : i32
      %dma_start3A_178 = tpu.memref_slice %arg7[%add3A_176, %dma_start3A_177] : memref<40x128xi32, #tpu.memory_space<vmem>> -> memref<1x128xi32, #tpu.memory_space<vmem>>
      %dma_start3A_179 = tpu.memref_squeeze %dma_start3A_178 : memref<1x128xi32, #tpu.memory_space<vmem>> -> memref<128xi32, #tpu.memory_space<vmem>>
      %dma_start3A_180 = arith.constant 0 : i32
      %dma_start3A_181 = arith.constant 0 : i32
      %dma_start3A_182 = tpu.memref_slice %arg2[%dma_start3A_180, %dma_start3A_181] : memref<20480x128xf32, #tpu.memory_space<hbm>> -> memref<20480x128xf32, #tpu.memory_space<hbm>>
      tpu.enqueue_indirect_dma source(%dma_start3A_182 : memref<20480x128xf32, #tpu.memory_space<hbm>>) target(%arg9 : memref<128x128xf32, #tpu.memory_space<vmem>>) offsets(%dma_start3A_179 : memref<128xi32, #tpu.memory_space<vmem>>) semaphore(%arg11 : memref<!tpu.dma_semaphore, #tpu.memory_space<semaphore_mem>>)
      %add3A_183 = arith.constant 1 : i32
      %add3A_184 = arith.addi %mul3A_160, %add3A_183 : i32
      %dma_wait3A_185 = arith.constant 0 : i32
      %dma_wait3A_186 = arith.constant 0 : i32
      %dma_wait3A_187 = tpu.memref_slice %arg2[%dma_wait3A_185, %dma_wait3A_186] : memref<20480x128xf32, #tpu.memory_space<hbm>> -> memref<128x128xf32, #tpu.memory_space<hbm>>
      %dma_wait3A_188 = arith.constant 0 : i32
      %dma_wait3A_189 = arith.constant 0 : i32
      %dma_wait3A_190 = tpu.memref_slice %arg2[%dma_wait3A_188, %dma_wait3A_189] : memref<20480x128xf32, #tpu.memory_space<hbm>> -> memref<128x128xf32, #tpu.memory_space<hbm>>
      tpu.wait_dma2 semaphore(%arg13 : memref<!tpu.dma_semaphore, #tpu.memory_space<semaphore_mem>>) src(%dma_wait3A_190 : memref<128x128xf32, #tpu.memory_space<hbm>>) dst(%arg10 : memref<128x128xf32, #tpu.memory_space<vmem>>)
      "tpu.region"() ({
        %run_scoped3A_191 = tpu.sem_alloc : memref<!tpu.dma_semaphore, #tpu.memory_space<semaphore_mem>>
        %dma_start3A_192 = arith.constant 0 : i32
        %dma_start3A_193 = tpu.memref_slice %arg8[%add3A_184, %dma_start3A_192] : memref<40x128xi32, #tpu.memory_space<vmem>> -> memref<1x128xi32, #tpu.memory_space<vmem>>
        %dma_start3A_194 = tpu.memref_squeeze %dma_start3A_193 : memref<1x128xi32, #tpu.memory_space<vmem>> -> memref<128xi32, #tpu.memory_space<vmem>>
        %dma_start3A_195 = arith.constant 0 : i32
        %dma_start3A_196 = arith.constant 0 : i32
        %dma_start3A_197 = tpu.memref_slice %arg6[%dma_start3A_195, %dma_start3A_196] : memref<10240x128xf32, #tpu.memory_space<vmem_shared>> -> memref<10240x128xf32, #tpu.memory_space<vmem_shared>>
        tpu.enqueue_indirect_dma source(%arg10 : memref<128x128xf32, #tpu.memory_space<vmem>>) target(%dma_start3A_197 : memref<10240x128xf32, #tpu.memory_space<vmem_shared>>) offsets(%dma_start3A_194 : memref<128xi32, #tpu.memory_space<vmem>>) semaphore(%run_scoped3A_191 : memref<!tpu.dma_semaphore, #tpu.memory_space<semaphore_mem>>) {add = true}
        %dma_wait3A_198 = arith.constant 0 : i32
        %dma_wait3A_199 = tpu.memref_slice %arg8[%add3A_184, %dma_wait3A_198] : memref<40x128xi32, #tpu.memory_space<vmem>> -> memref<1x128xi32, #tpu.memory_space<vmem>>
        %dma_wait3A_200 = tpu.memref_squeeze %dma_wait3A_199 : memref<1x128xi32, #tpu.memory_space<vmem>> -> memref<128xi32, #tpu.memory_space<vmem>>
        %dma_wait3A_201 = arith.constant 0 : i32
        %dma_wait3A_202 = arith.constant 0 : i32
        %dma_wait3A_203 = tpu.memref_slice %arg6[%dma_wait3A_201, %dma_wait3A_202] : memref<10240x128xf32, #tpu.memory_space<vmem_shared>> -> memref<10240x128xf32, #tpu.memory_space<vmem_shared>>
        tpu.wait_indirect_dma semaphore(%run_scoped3A_191 : memref<!tpu.dma_semaphore, #tpu.memory_space<semaphore_mem>>) src(%arg10 : memref<128x128xf32, #tpu.memory_space<vmem>>) dst(%dma_wait3A_203 : memref<10240x128xf32, #tpu.memory_space<vmem_shared>>)
        tpu.yield
      }) : () -> ()
    }
    %scan3A_131 = arith.constant 19 : i32
    %dma_start3A_132 = arith.constant 39 : i32
    %dma_start3A_133 = arith.constant 0 : i32
    %dma_start3A_134 = tpu.memref_slice %arg7[%dma_start3A_132, %dma_start3A_133] : memref<40x128xi32, #tpu.memory_space<vmem>> -> memref<1x128xi32, #tpu.memory_space<vmem>>
    %dma_start3A_135 = tpu.memref_squeeze %dma_start3A_134 : memref<1x128xi32, #tpu.memory_space<vmem>> -> memref<128xi32, #tpu.memory_space<vmem>>
    %dma_start3A_136 = arith.constant 0 : i32
    %dma_start3A_137 = arith.constant 0 : i32
    %dma_start3A_138 = tpu.memref_slice %arg2[%dma_start3A_136, %dma_start3A_137] : memref<20480x128xf32, #tpu.memory_space<hbm>> -> memref<20480x128xf32, #tpu.memory_space<hbm>>
    tpu.enqueue_indirect_dma source(%dma_start3A_138 : memref<20480x128xf32, #tpu.memory_space<hbm>>) target(%arg10 : memref<128x128xf32, #tpu.memory_space<vmem>>) offsets(%dma_start3A_135 : memref<128xi32, #tpu.memory_space<vmem>>) semaphore(%arg13 : memref<!tpu.dma_semaphore, #tpu.memory_space<semaphore_mem>>)
    %dma_wait3A_139 = arith.constant 0 : i32
    %dma_wait3A_140 = arith.constant 0 : i32
    %dma_wait3A_141 = tpu.memref_slice %arg2[%dma_wait3A_139, %dma_wait3A_140] : memref<20480x128xf32, #tpu.memory_space<hbm>> -> memref<128x128xf32, #tpu.memory_space<hbm>>
    %dma_wait3A_142 = arith.constant 0 : i32
    %dma_wait3A_143 = arith.constant 0 : i32
    %dma_wait3A_144 = tpu.memref_slice %arg2[%dma_wait3A_142, %dma_wait3A_143] : memref<20480x128xf32, #tpu.memory_space<hbm>> -> memref<128x128xf32, #tpu.memory_space<hbm>>
    tpu.wait_dma2 semaphore(%arg11 : memref<!tpu.dma_semaphore, #tpu.memory_space<semaphore_mem>>) src(%dma_wait3A_144 : memref<128x128xf32, #tpu.memory_space<hbm>>) dst(%arg9 : memref<128x128xf32, #tpu.memory_space<vmem>>)
    %run_scoped3A_145 = arith.constant 38 : i32
    "tpu.region"() ({
      %run_scoped3A_158 = tpu.sem_alloc : memref<!tpu.dma_semaphore, #tpu.memory_space<semaphore_mem>>
      %dma_start3A_159 = arith.constant 0 : i32
      %dma_start3A_160 = tpu.memref_slice %arg8[%run_scoped3A_145, %dma_start3A_159] : memref<40x128xi32, #tpu.memory_space<vmem>> -> memref<1x128xi32, #tpu.memory_space<vmem>>
      %dma_start3A_161 = tpu.memref_squeeze %dma_start3A_160 : memref<1x128xi32, #tpu.memory_space<vmem>> -> memref<128xi32, #tpu.memory_space<vmem>>
      %dma_start3A_162 = arith.constant 0 : i32
      %dma_start3A_163 = arith.constant 0 : i32
      %dma_start3A_164 = tpu.memref_slice %arg6[%dma_start3A_162, %dma_start3A_163] : memref<10240x128xf32, #tpu.memory_space<vmem_shared>> -> memref<10240x128xf32, #tpu.memory_space<vmem_shared>>
      tpu.enqueue_indirect_dma source(%arg9 : memref<128x128xf32, #tpu.memory_space<vmem>>) target(%dma_start3A_164 : memref<10240x128xf32, #tpu.memory_space<vmem_shared>>) offsets(%dma_start3A_161 : memref<128xi32, #tpu.memory_space<vmem>>) semaphore(%run_scoped3A_158 : memref<!tpu.dma_semaphore, #tpu.memory_space<semaphore_mem>>) {add = true}
      %dma_wait3A_165 = arith.constant 0 : i32
      %dma_wait3A_166 = tpu.memref_slice %arg8[%run_scoped3A_145, %dma_wait3A_165] : memref<40x128xi32, #tpu.memory_space<vmem>> -> memref<1x128xi32, #tpu.memory_space<vmem>>
      %dma_wait3A_167 = tpu.memref_squeeze %dma_wait3A_166 : memref<1x128xi32, #tpu.memory_space<vmem>> -> memref<128xi32, #tpu.memory_space<vmem>>
      %dma_wait3A_168 = arith.constant 0 : i32
      %dma_wait3A_169 = arith.constant 0 : i32
      %dma_wait3A_170 = tpu.memref_slice %arg6[%dma_wait3A_168, %dma_wait3A_169] : memref<10240x128xf32, #tpu.memory_space<vmem_shared>> -> memref<10240x128xf32, #tpu.memory_space<vmem_shared>>
      tpu.wait_indirect_dma semaphore(%run_scoped3A_158 : memref<!tpu.dma_semaphore, #tpu.memory_space<semaphore_mem>>) src(%arg9 : memref<128x128xf32, #tpu.memory_space<vmem>>) dst(%dma_wait3A_170 : memref<10240x128xf32, #tpu.memory_space<vmem_shared>>)
      tpu.yield
    }) : () -> ()
    %dma_wait3A_146 = arith.constant 0 : i32
    %dma_wait3A_147 = arith.constant 0 : i32
    %dma_wait3A_148 = tpu.memref_slice %arg2[%dma_wait3A_146, %dma_wait3A_147] : memref<20480x128xf32, #tpu.memory_space<hbm>> -> memref<128x128xf32, #tpu.memory_space<hbm>>
    %dma_wait3A_149 = arith.constant 0 : i32
    %dma_wait3A_150 = arith.constant 0 : i32
    %dma_wait3A_151 = tpu.memref_slice %arg2[%dma_wait3A_149, %dma_wait3A_150] : memref<20480x128xf32, #tpu.memory_space<hbm>> -> memref<128x128xf32, #tpu.memory_space<hbm>>
    tpu.wait_dma2 semaphore(%arg13 : memref<!tpu.dma_semaphore, #tpu.memory_space<semaphore_mem>>) src(%dma_wait3A_151 : memref<128x128xf32, #tpu.memory_space<hbm>>) dst(%arg10 : memref<128x128xf32, #tpu.memory_space<vmem>>)
    %run_scoped3A_152 = arith.constant 39 : i32
    "tpu.region"() ({
      %run_scoped3A_158 = tpu.sem_alloc : memref<!tpu.dma_semaphore, #tpu.memory_space<semaphore_mem>>
      %dma_start3A_159 = arith.constant 0 : i32
      %dma_start3A_160 = tpu.memref_slice %arg8[%run_scoped3A_152, %dma_start3A_159] : memref<40x128xi32, #tpu.memory_space<vmem>> -> memref<1x128xi32, #tpu.memory_space<vmem>>
      %dma_start3A_161 = tpu.memref_squeeze %dma_start3A_160 : memref<1x128xi32, #tpu.memory_space<vmem>> -> memref<128xi32, #tpu.memory_space<vmem>>
      %dma_start3A_162 = arith.constant 0 : i32
      %dma_start3A_163 = arith.constant 0 : i32
      %dma_start3A_164 = tpu.memref_slice %arg6[%dma_start3A_162, %dma_start3A_163] : memref<10240x128xf32, #tpu.memory_space<vmem_shared>> -> memref<10240x128xf32, #tpu.memory_space<vmem_shared>>
      tpu.enqueue_indirect_dma source(%arg10 : memref<128x128xf32, #tpu.memory_space<vmem>>) target(%dma_start3A_164 : memref<10240x128xf32, #tpu.memory_space<vmem_shared>>) offsets(%dma_start3A_161 : memref<128xi32, #tpu.memory_space<vmem>>) semaphore(%run_scoped3A_158 : memref<!tpu.dma_semaphore, #tpu.memory_space<semaphore_mem>>) {add = true}
      %dma_wait3A_165 = arith.constant 0 : i32
      %dma_wait3A_166 = tpu.memref_slice %arg8[%run_scoped3A_152, %dma_wait3A_165] : memref<40x128xi32, #tpu.memory_space<vmem>> -> memref<1x128xi32, #tpu.memory_space<vmem>>
      %dma_wait3A_167 = tpu.memref_squeeze %dma_wait3A_166 : memref<1x128xi32, #tpu.memory_space<vmem>> -> memref<128xi32, #tpu.memory_space<vmem>>
      %dma_wait3A_168 = arith.constant 0 : i32
      %dma_wait3A_169 = arith.constant 0 : i32
      %dma_wait3A_170 = tpu.memref_slice %arg6[%dma_wait3A_168, %dma_wait3A_169] : memref<10240x128xf32, #tpu.memory_space<vmem_shared>> -> memref<10240x128xf32, #tpu.memory_space<vmem_shared>>
      tpu.wait_indirect_dma semaphore(%run_scoped3A_158 : memref<!tpu.dma_semaphore, #tpu.memory_space<semaphore_mem>>) src(%arg10 : memref<128x128xf32, #tpu.memory_space<vmem>>) dst(%dma_wait3A_170 : memref<10240x128xf32, #tpu.memory_space<vmem_shared>>)
      tpu.yield
    }) : () -> ()
    %barrier3A_153 = arith.constant 0 : index
    tpu.barrier barrier_id(%barrier3A_153)
    %mul3A_154 = arith.constant 640 : i32
    %mul3A_155 = arith.muli %arg1, %mul3A_154 : i32
    %mul3A_156 = arith.constant 640 : i32
    %mul3A_157 = arith.muli %arg1, %mul3A_156 : i32
    "tpu.region"() ({
      %run_scoped3A_158 = tpu.sem_alloc : memref<!tpu.dma_semaphore, #tpu.memory_space<semaphore_mem>>
      %dma_start3A_159 = arith.constant 0 : i32
      %dma_start3A_160 = tpu.memref_slice %arg5[%arg0, %mul3A_157, %dma_start3A_159] : memref<2x10240x128xf32, #tpu.memory_space<hbm>> -> memref<1x640x128xf32, #tpu.memory_space<hbm>>
      %dma_start3A_161 = tpu.memref_squeeze %dma_start3A_160 : memref<1x640x128xf32, #tpu.memory_space<hbm>> -> memref<640x128xf32, #tpu.memory_space<hbm>>
      %dma_start3A_162 = arith.constant 0 : i32
      %dma_start3A_163 = tpu.memref_slice %arg6[%mul3A_155, %dma_start3A_162] : memref<10240x128xf32, #tpu.memory_space<vmem_shared>> -> memref<640x128xf32, #tpu.memory_space<vmem_shared>>
      tpu.enqueue_dma source(%dma_start3A_163 : memref<640x128xf32, #tpu.memory_space<vmem_shared>>) target(%dma_start3A_161 : memref<640x128xf32, #tpu.memory_space<hbm>>) target_semaphore(%run_scoped3A_158 : memref<!tpu.dma_semaphore, #tpu.memory_space<semaphore_mem>>)
      %dma_wait3A_164 = arith.constant 0 : i32
      %dma_wait3A_165 = tpu.memref_slice %arg5[%arg0, %mul3A_157, %dma_wait3A_164] : memref<2x10240x128xf32, #tpu.memory_space<hbm>> -> memref<1x640x128xf32, #tpu.memory_space<hbm>>
      %dma_wait3A_166 = tpu.memref_squeeze %dma_wait3A_165 : memref<1x640x128xf32, #tpu.memory_space<hbm>> -> memref<640x128xf32, #tpu.memory_space<hbm>>
      %dma_wait3A_167 = arith.constant 0 : i32
      %dma_wait3A_168 = tpu.memref_slice %arg6[%mul3A_155, %dma_wait3A_167] : memref<10240x128xf32, #tpu.memory_space<vmem_shared>> -> memref<640x128xf32, #tpu.memory_space<vmem_shared>>
      tpu.wait_dma2 semaphore(%run_scoped3A_158 : memref<!tpu.dma_semaphore, #tpu.memory_space<semaphore_mem>>) src(%dma_wait3A_168 : memref<640x128xf32, #tpu.memory_space<vmem_shared>>) dst(%dma_wait3A_166 : memref<640x128xf32, #tpu.memory_space<hbm>>)
      tpu.yield
    }) : () -> ()
    return
  }
}

#map = affine_map<(d0, d1) -> (0, 0, 0)>
#map1 = affine_map<(d0, d1) -> (0, 0)>
module attributes {stable_mosaic.version = 14 : i64} {
  func.func @_deg_kernel(%arg0: i32, %arg1: i32, %arg2: memref<2x2560x128xi32, #tpu.memory_space<hbm>>, %arg3: memref<128x128xf32, #tpu.memory_space<hbm>>, %arg4: memref<10240x128xf32, #tpu.memory_space<hbm>>, %arg5: memref<2x10240x128xf32, #tpu.memory_space<hbm>>, %arg6: memref<10240x128xf32, #tpu.memory_space<vmem_shared>>, %arg7: memref<40x128xi32, #tpu.memory_space<vmem>>, %arg8: memref<128x128xf32, #tpu.memory_space<vmem>>) attributes {dimension_semantics = [#tpu.dimension_semantics<core_parallel>, #tpu.dimension_semantics<subcore_parallel>], iteration_bounds = array<i64: 2, 16>, scalar_prefetch = 0 : i64, scratch_operands = 3 : i64, tpu.core_type = #tpu.core_type<sc_vector_subcore>, window_params = [{transform_indices = #map}, {transform_indices = #map1}, {transform_indices = #map1}, {transform_indices = #map}]} {
    %mul3A = arith.constant 640 : i32
    %mul3A_0 = arith.muli %arg1, %mul3A : i32
    %mul3A_1 = arith.constant 640 : i32
    %mul3A_2 = arith.muli %arg1, %mul3A_1 : i32
    "tpu.region"() ({
      %run_scoped3A = tpu.sem_alloc : memref<!tpu.dma_semaphore, #tpu.memory_space<semaphore_mem>>
      %dma_start3A = arith.constant 0 : i32
      %dma_start3A_13 = tpu.memref_slice %arg6[%mul3A_2, %dma_start3A] : memref<10240x128xf32, #tpu.memory_space<vmem_shared>> -> memref<640x128xf32, #tpu.memory_space<vmem_shared>>
      %dma_start3A_14 = arith.constant 0 : i32
      %dma_start3A_15 = tpu.memref_slice %arg4[%mul3A_0, %dma_start3A_14] : memref<10240x128xf32, #tpu.memory_space<hbm>> -> memref<640x128xf32, #tpu.memory_space<hbm>>
      tpu.enqueue_dma source(%dma_start3A_15 : memref<640x128xf32, #tpu.memory_space<hbm>>) target(%dma_start3A_13 : memref<640x128xf32, #tpu.memory_space<vmem_shared>>) target_semaphore(%run_scoped3A : memref<!tpu.dma_semaphore, #tpu.memory_space<semaphore_mem>>)
      %dma_wait3A = arith.constant 0 : i32
      %dma_wait3A_16 = tpu.memref_slice %arg6[%mul3A_2, %dma_wait3A] : memref<10240x128xf32, #tpu.memory_space<vmem_shared>> -> memref<640x128xf32, #tpu.memory_space<vmem_shared>>
      %dma_wait3A_17 = arith.constant 0 : i32
      %dma_wait3A_18 = tpu.memref_slice %arg4[%mul3A_0, %dma_wait3A_17] : memref<10240x128xf32, #tpu.memory_space<hbm>> -> memref<640x128xf32, #tpu.memory_space<hbm>>
      tpu.wait_dma2 semaphore(%run_scoped3A : memref<!tpu.dma_semaphore, #tpu.memory_space<semaphore_mem>>) src(%dma_wait3A_18 : memref<640x128xf32, #tpu.memory_space<hbm>>) dst(%dma_wait3A_16 : memref<640x128xf32, #tpu.memory_space<vmem_shared>>)
      tpu.yield
    }) : () -> ()
    "tpu.region"() ({
      %run_scoped3A = tpu.sem_alloc : memref<!tpu.dma_semaphore, #tpu.memory_space<semaphore_mem>>
      tpu.enqueue_dma source(%arg3 : memref<128x128xf32, #tpu.memory_space<hbm>>) target(%arg8 : memref<128x128xf32, #tpu.memory_space<vmem>>) target_semaphore(%run_scoped3A : memref<!tpu.dma_semaphore, #tpu.memory_space<semaphore_mem>>)
      tpu.wait_dma2 semaphore(%run_scoped3A : memref<!tpu.dma_semaphore, #tpu.memory_space<semaphore_mem>>) src(%arg3 : memref<128x128xf32, #tpu.memory_space<hbm>>) dst(%arg8 : memref<128x128xf32, #tpu.memory_space<vmem>>)
      tpu.yield
    }) : () -> ()
    %barrier3A = arith.constant 0 : index
    tpu.barrier barrier_id(%barrier3A)
    %scan3A = arith.constant 0 : i32
    %scan3A_3 = arith.constant 0 : i32
    %scan3A_4 = arith.constant 4 : i32
    %scan3A_5 = arith.addi %scan3A_3, %scan3A_4 : i32
    %scan3A_6 = arith.constant 1 : i32
    scf.for %scan3A_13 = %scan3A_3 to %scan3A_5 step %scan3A_6  : i32 {
      %mul3A_14 = arith.constant 160 : i32
      %mul3A_15 = arith.muli %arg1, %mul3A_14 : i32
      %mul3A_16 = arith.constant 40 : i32
      %mul3A_17 = arith.muli %scan3A_13, %mul3A_16 : i32
      %add3A = arith.addi %mul3A_15, %mul3A_17 : i32
      "tpu.region"() ({
        %run_scoped3A = tpu.sem_alloc : memref<!tpu.dma_semaphore, #tpu.memory_space<semaphore_mem>>
        %dma_start3A = arith.constant 0 : i32
        %dma_start3A_24 = tpu.memref_slice %arg2[%arg0, %add3A, %dma_start3A] : memref<2x2560x128xi32, #tpu.memory_space<hbm>> -> memref<1x40x128xi32, #tpu.memory_space<hbm>>
        %dma_start3A_25 = tpu.memref_squeeze %dma_start3A_24 : memref<1x40x128xi32, #tpu.memory_space<hbm>> -> memref<40x128xi32, #tpu.memory_space<hbm>>
        %dma_start3A_26 = arith.constant 0 : i32
        %dma_start3A_27 = tpu.memref_slice %arg2[%arg0, %add3A, %dma_start3A_26] : memref<2x2560x128xi32, #tpu.memory_space<hbm>> -> memref<1x40x128xi32, #tpu.memory_space<hbm>>
        %dma_start3A_28 = tpu.memref_squeeze %dma_start3A_27 : memref<1x40x128xi32, #tpu.memory_space<hbm>> -> memref<40x128xi32, #tpu.memory_space<hbm>>
        tpu.enqueue_dma source(%dma_start3A_28 : memref<40x128xi32, #tpu.memory_space<hbm>>) target(%arg7 : memref<40x128xi32, #tpu.memory_space<vmem>>) target_semaphore(%run_scoped3A : memref<!tpu.dma_semaphore, #tpu.memory_space<semaphore_mem>>)
        %dma_wait3A = arith.constant 0 : i32
        %dma_wait3A_29 = tpu.memref_slice %arg2[%arg0, %add3A, %dma_wait3A] : memref<2x2560x128xi32, #tpu.memory_space<hbm>> -> memref<1x40x128xi32, #tpu.memory_space<hbm>>
        %dma_wait3A_30 = tpu.memref_squeeze %dma_wait3A_29 : memref<1x40x128xi32, #tpu.memory_space<hbm>> -> memref<40x128xi32, #tpu.memory_space<hbm>>
        %dma_wait3A_31 = arith.constant 0 : i32
        %dma_wait3A_32 = tpu.memref_slice %arg2[%arg0, %add3A, %dma_wait3A_31] : memref<2x2560x128xi32, #tpu.memory_space<hbm>> -> memref<1x40x128xi32, #tpu.memory_space<hbm>>
        %dma_wait3A_33 = tpu.memref_squeeze %dma_wait3A_32 : memref<1x40x128xi32, #tpu.memory_space<hbm>> -> memref<40x128xi32, #tpu.memory_space<hbm>>
        tpu.wait_dma2 semaphore(%run_scoped3A : memref<!tpu.dma_semaphore, #tpu.memory_space<semaphore_mem>>) src(%dma_wait3A_33 : memref<40x128xi32, #tpu.memory_space<hbm>>) dst(%arg7 : memref<40x128xi32, #tpu.memory_space<vmem>>)
        tpu.yield
      }) : () -> ()
      %scan3A_18 = arith.constant 0 : i32
      %scan3A_19 = arith.constant 0 : i32
      %scan3A_20 = arith.constant 40 : i32
      %scan3A_21 = arith.addi %scan3A_19, %scan3A_20 : i32
      %scan3A_22 = arith.constant 1 : i32
      scf.for %scan3A_24 = %scan3A_19 to %scan3A_21 step %scan3A_22  : i32 {
        "tpu.region"() ({
          %run_scoped3A = tpu.sem_alloc : memref<!tpu.dma_semaphore, #tpu.memory_space<semaphore_mem>>
          %dma_start3A = arith.constant 0 : i32
          %dma_start3A_25 = tpu.memref_slice %arg7[%scan3A_24, %dma_start3A] : memref<40x128xi32, #tpu.memory_space<vmem>> -> memref<1x128xi32, #tpu.memory_space<vmem>>
          %dma_start3A_26 = tpu.memref_squeeze %dma_start3A_25 : memref<1x128xi32, #tpu.memory_space<vmem>> -> memref<128xi32, #tpu.memory_space<vmem>>
          %dma_start3A_27 = arith.constant 0 : i32
          %dma_start3A_28 = arith.constant 0 : i32
          %dma_start3A_29 = tpu.memref_slice %arg6[%dma_start3A_27, %dma_start3A_28] : memref<10240x128xf32, #tpu.memory_space<vmem_shared>> -> memref<10240x128xf32, #tpu.memory_space<vmem_shared>>
          tpu.enqueue_indirect_dma source(%arg8 : memref<128x128xf32, #tpu.memory_space<vmem>>) target(%dma_start3A_29 : memref<10240x128xf32, #tpu.memory_space<vmem_shared>>) offsets(%dma_start3A_26 : memref<128xi32, #tpu.memory_space<vmem>>) semaphore(%run_scoped3A : memref<!tpu.dma_semaphore, #tpu.memory_space<semaphore_mem>>) {add = true}
          %dma_wait3A = arith.constant 0 : i32
          %dma_wait3A_30 = tpu.memref_slice %arg7[%scan3A_24, %dma_wait3A] : memref<40x128xi32, #tpu.memory_space<vmem>> -> memref<1x128xi32, #tpu.memory_space<vmem>>
          %dma_wait3A_31 = tpu.memref_squeeze %dma_wait3A_30 : memref<1x128xi32, #tpu.memory_space<vmem>> -> memref<128xi32, #tpu.memory_space<vmem>>
          %dma_wait3A_32 = arith.constant 0 : i32
          %dma_wait3A_33 = arith.constant 0 : i32
          %dma_wait3A_34 = tpu.memref_slice %arg6[%dma_wait3A_32, %dma_wait3A_33] : memref<10240x128xf32, #tpu.memory_space<vmem_shared>> -> memref<10240x128xf32, #tpu.memory_space<vmem_shared>>
          tpu.wait_indirect_dma semaphore(%run_scoped3A : memref<!tpu.dma_semaphore, #tpu.memory_space<semaphore_mem>>) src(%arg8 : memref<128x128xf32, #tpu.memory_space<vmem>>) dst(%dma_wait3A_34 : memref<10240x128xf32, #tpu.memory_space<vmem_shared>>)
          tpu.yield
        }) : () -> ()
      }
      %scan3A_23 = arith.constant 40 : i32
    }
    %scan3A_7 = arith.constant 4 : i32
    %barrier3A_8 = arith.constant 0 : index
    tpu.barrier barrier_id(%barrier3A_8)
    %mul3A_9 = arith.constant 640 : i32
    %mul3A_10 = arith.muli %arg1, %mul3A_9 : i32
    %mul3A_11 = arith.constant 640 : i32
    %mul3A_12 = arith.muli %arg1, %mul3A_11 : i32
    "tpu.region"() ({
      %run_scoped3A = tpu.sem_alloc : memref<!tpu.dma_semaphore, #tpu.memory_space<semaphore_mem>>
      %dma_start3A = arith.constant 0 : i32
      %dma_start3A_13 = tpu.memref_slice %arg5[%arg0, %mul3A_12, %dma_start3A] : memref<2x10240x128xf32, #tpu.memory_space<hbm>> -> memref<1x640x128xf32, #tpu.memory_space<hbm>>
      %dma_start3A_14 = tpu.memref_squeeze %dma_start3A_13 : memref<1x640x128xf32, #tpu.memory_space<hbm>> -> memref<640x128xf32, #tpu.memory_space<hbm>>
      %dma_start3A_15 = arith.constant 0 : i32
      %dma_start3A_16 = tpu.memref_slice %arg6[%mul3A_10, %dma_start3A_15] : memref<10240x128xf32, #tpu.memory_space<vmem_shared>> -> memref<640x128xf32, #tpu.memory_space<vmem_shared>>
      tpu.enqueue_dma source(%dma_start3A_16 : memref<640x128xf32, #tpu.memory_space<vmem_shared>>) target(%dma_start3A_14 : memref<640x128xf32, #tpu.memory_space<hbm>>) target_semaphore(%run_scoped3A : memref<!tpu.dma_semaphore, #tpu.memory_space<semaphore_mem>>)
      %dma_wait3A = arith.constant 0 : i32
      %dma_wait3A_17 = tpu.memref_slice %arg5[%arg0, %mul3A_12, %dma_wait3A] : memref<2x10240x128xf32, #tpu.memory_space<hbm>> -> memref<1x640x128xf32, #tpu.memory_space<hbm>>
      %dma_wait3A_18 = tpu.memref_squeeze %dma_wait3A_17 : memref<1x640x128xf32, #tpu.memory_space<hbm>> -> memref<640x128xf32, #tpu.memory_space<hbm>>
      %dma_wait3A_19 = arith.constant 0 : i32
      %dma_wait3A_20 = tpu.memref_slice %arg6[%mul3A_10, %dma_wait3A_19] : memref<10240x128xf32, #tpu.memory_space<vmem_shared>> -> memref<640x128xf32, #tpu.memory_space<vmem_shared>>
      tpu.wait_dma2 semaphore(%run_scoped3A : memref<!tpu.dma_semaphore, #tpu.memory_space<semaphore_mem>>) src(%dma_wait3A_20 : memref<640x128xf32, #tpu.memory_space<vmem_shared>>) dst(%dma_wait3A_18 : memref<640x128xf32, #tpu.memory_space<hbm>>)
      tpu.yield
    }) : () -> ()
    return
  }
}

module attributes {stable_mosaic.version = 14 : i64} {
  func.func @_gmat_body(%arg0: i32, %arg1: i32, %arg2: memref<1x512x128xf32, #tpu.memory_space<vmem>>, %arg3: memref<1x128x128xf32, #tpu.memory_space<vmem>>, %arg4: memref<1x512x128xf32, #tpu.memory_space<vmem>>, %arg5: memref<1x512x128xf32, #tpu.memory_space<vmem>>) attributes {dimension_semantics = [#tpu.dimension_semantics<arbitrary>, #tpu.dimension_semantics<arbitrary>], iteration_bounds = array<i64: 2, 20>, scalar_prefetch = 0 : i64, scratch_operands = 0 : i64, tpu.core_type = #tpu.core_type<tc>, window_params = [{transform_indices = @transform_0, window_bounds = array<i64: 1, 512, 128>}, {transform_indices = @transform_1, window_bounds = array<i64: 1, 128, 128>}, {transform_indices = @transform_2, window_bounds = array<i64: 1, 512, 128>}, {transform_indices = @transform_3, window_bounds = array<i64: 1, 512, 128>}]} {
    %get3A = arith.constant 0 : index
    %get3A_0 = arith.constant 0 : index
    %get3A_1 = arith.constant 0 : index
    %get3A_2 = vector.load %arg4[%get3A, %get3A_0, %get3A_1] : memref<1x512x128xf32, #tpu.memory_space<vmem>>, vector<1x512x128xf32>
    %get3A_3 = vector.shape_cast %get3A_2 : vector<1x512x128xf32> to vector<512x128xf32>
    %slice3A = vector.extract_strided_slice %get3A_3 {offsets = [0, 0], sizes = [512, 1], strides = [1, 1]} : vector<512x128xf32> to vector<512x1xf32>
    %add3A = arith.constant 1.000000e+00 : f32
    %add3A_4 = vector.broadcast %add3A : f32 to vector<512x1xf32>
    %add3A_5 = arith.addf %slice3A, %add3A_4 : vector<512x1xf32>
    %rsqrt3A = math.rsqrt %add3A_5 : vector<512x1xf32>
    %get3A_6 = arith.constant 0 : index
    %get3A_7 = arith.constant 0 : index
    %get3A_8 = arith.constant 0 : index
    %get3A_9 = vector.load %arg2[%get3A_6, %get3A_7, %get3A_8] : memref<1x512x128xf32, #tpu.memory_space<vmem>>, vector<1x512x128xf32>
    %get3A_10 = vector.shape_cast %get3A_9 : vector<1x512x128xf32> to vector<512x128xf32>
    %get3A_11 = arith.constant 0 : index
    %get3A_12 = arith.constant 0 : index
    %get3A_13 = arith.constant 0 : index
    %get3A_14 = vector.load %arg3[%get3A_11, %get3A_12, %get3A_13] : memref<1x128x128xf32, #tpu.memory_space<vmem>>, vector<1x128x128xf32>
    %get3A_15 = vector.shape_cast %get3A_14 : vector<1x128x128xf32> to vector<128x128xf32>
    %dot_general3A = arith.constant dense<0.000000e+00> : vector<512x128xf32>
    %dot_general3A_16 = tpu.matmul %get3A_10, %get3A_15, %dot_general3A {dimension_numbers = #tpu.dot_dimension_numbers<[1], [0], [0], [1], [0, 0, 1, 1], [], []>, transpose_lhs_hint = false} : vector<512x128xf32>, vector<128x128xf32>, vector<512x128xf32> -> vector<512x128xf32>
    %mul3A = vector.broadcast %rsqrt3A : vector<512x1xf32> to vector<512x128xf32>
    %mul3A_17 = arith.mulf %dot_general3A_16, %mul3A : vector<512x128xf32>
    %swap3A = arith.constant 0 : index
    %swap3A_18 = arith.constant 0 : index
    %swap3A_19 = arith.constant 0 : index
    %swap3A_20 = vector.load %arg5[%swap3A, %swap3A_18, %swap3A_19] : memref<1x512x128xf32, #tpu.memory_space<vmem>>, vector<1x512x128xf32>
    %swap3A_21 = vector.shape_cast %swap3A_20 : vector<1x512x128xf32> to vector<512x128xf32>
    %swap3A_22 = vector.shape_cast %mul3A_17 : vector<512x128xf32> to vector<1x512x128xf32>
    tpu.vector_store %arg5[%swap3A, %swap3A_18, %swap3A_19], %swap3A_22 {strides = array<i32>} : memref<1x512x128xf32, #tpu.memory_space<vmem>>, vector<1x512x128xf32>,
    return
  }
  func.func @transform_0(%arg0: i32, %arg1: i32) -> (i32, i32, i32) {
    %c0_i32 = arith.constant 0 : i32
    %c0_i32_0 = arith.constant 0 : i32
    return %arg0, %arg1, %c0_i32 : i32, i32, i32
  }
  func.func @transform_1(%arg0: i32, %arg1: i32) -> (i32, i32, i32) {
    %c0_i32 = arith.constant 0 : i32
    %c0_i32_0 = arith.constant 0 : i32
    %c0_i32_1 = arith.constant 0 : i32
    return %arg0, %c0_i32, %c0_i32_0 : i32, i32, i32
  }
  func.func @transform_2(%arg0: i32, %arg1: i32) -> (i32, i32, i32) {
    %c0_i32 = arith.constant 0 : i32
    %c0_i32_0 = arith.constant 0 : i32
    return %arg0, %arg1, %c0_i32 : i32, i32, i32
  }
  func.func @transform_3(%arg0: i32, %arg1: i32) -> (i32, i32, i32) {
    %c0_i32 = arith.constant 0 : i32
    %c0_i32_0 = arith.constant 0 : i32
    return %arg0, %arg1, %c0_i32 : i32, i32, i32
  }
}

module attributes {stable_mosaic.version = 14 : i64} {
  func.func @_head_body(%arg0: i32, %arg1: memref<2x512x128xf32, #tpu.memory_space<vmem>>, %arg2: memref<2x512x128xf32, #tpu.memory_space<vmem>>, %arg3: memref<2x1x128xf32, #tpu.memory_space<vmem>>, %arg4: memref<2x128x128xf32, #tpu.memory_space<vmem>>, %arg5: memref<2x1x128xf32, #tpu.memory_space<vmem>>, %arg6: memref<256x256xf32, #tpu.memory_space<vmem>>, %arg7: memref<1x256xf32, #tpu.memory_space<vmem>>, %arg8: memref<256x64xf32, #tpu.memory_space<vmem>>, %arg9: memref<1x64xf32, #tpu.memory_space<vmem>>, %arg10: memref<64x1xf32, #tpu.memory_space<vmem>>, %arg11: memref<1x1xf32, #tpu.memory_space<vmem>>, %arg12: memref<1x1xf32, #tpu.memory_space<vmem>>, %arg13: memref<2x128xf32, #tpu.memory_space<vmem>>) attributes {dimension_semantics = [#tpu.dimension_semantics<arbitrary>], iteration_bounds = array<i64: 20>, scalar_prefetch = 0 : i64, scratch_operands = 1 : i64, tpu.core_type = #tpu.core_type<tc>, window_params = [{transform_indices = @transform_0, window_bounds = array<i64: 2, 512, 128>}, {transform_indices = @transform_1, window_bounds = array<i64: 2, 512, 128>}, {pipeline_mode = #tpu.pipeline_mode<synchronous>, transform_indices = @transform_2, window_bounds = array<i64: 2, 1, 128>}, {pipeline_mode = #tpu.pipeline_mode<synchronous>, transform_indices = @transform_3, window_bounds = array<i64: 2, 128, 128>}, {pipeline_mode = #tpu.pipeline_mode<synchronous>, transform_indices = @transform_4, window_bounds = array<i64: 2, 1, 128>}, {pipeline_mode = #tpu.pipeline_mode<synchronous>, transform_indices = @transform_5, window_bounds = array<i64: 256, 256>}, {pipeline_mode = #tpu.pipeline_mode<synchronous>, transform_indices = @transform_6, window_bounds = array<i64: 1, 256>}, {pipeline_mode = #tpu.pipeline_mode<synchronous>, transform_indices = @transform_7, window_bounds = array<i64: 256, 64>}, {pipeline_mode = #tpu.pipeline_mode<synchronous>, transform_indices = @transform_8, window_bounds = array<i64: 1, 64>}, {pipeline_mode = #tpu.pipeline_mode<synchronous>, transform_indices = @transform_9, window_bounds = array<i64: 64, 1>}, {pipeline_mode = #tpu.pipeline_mode<synchronous>, transform_indices = @transform_10, window_bounds = array<i64: 1, 1>}, {pipeline_mode = #tpu.pipeline_mode<synchronous>, transform_indices = @transform_11, window_bounds = array<i64: 1, 1>}]} {
    %mul3A = arith.constant 512 : i32
    %mul3A_0 = arith.muli %arg0, %mul3A : i32
    %sub3A = arith.constant 10000 : i32
    %sub3A_1 = arith.subi %sub3A, %mul3A_0 : i32
    %iota3A = tpu.iota {dimensions = array<i32: 0>} : vector<512x128xi32>
    %lt3A = vector.broadcast %sub3A_1 : i32 to vector<512x128xi32>
    %lt3A_2 = arith.cmpi slt, %iota3A, %lt3A : vector<512x128xi32>
    %get3A = arith.constant 0 : index
    %get3A_3 = arith.constant 0 : index
    %get3A_4 = arith.constant 0 : index
    %get3A_5 = vector.load %arg2[%get3A, %get3A_3, %get3A_4] : memref<2x512x128xf32, #tpu.memory_space<vmem>>, vector<1x512x128xf32>
    %get3A_6 = vector.shape_cast %get3A_5 : vector<1x512x128xf32> to vector<512x128xf32>
    %slice3A = vector.extract_strided_slice %get3A_6 {offsets = [0, 0], sizes = [512, 1], strides = [1, 1]} : vector<512x128xf32> to vector<512x1xf32>
    %add3A = arith.constant 1.000000e+00 : f32
    %add3A_7 = vector.broadcast %add3A : f32 to vector<512x1xf32>
    %add3A_8 = arith.addf %slice3A, %add3A_7 : vector<512x1xf32>
    %rsqrt3A = math.rsqrt %add3A_8 : vector<512x1xf32>
    %get3A_9 = arith.constant 0 : index
    %get3A_10 = arith.constant 0 : index
    %get3A_11 = arith.constant 0 : index
    %get3A_12 = vector.load %arg1[%get3A_9, %get3A_10, %get3A_11] : memref<2x512x128xf32, #tpu.memory_space<vmem>>, vector<1x512x128xf32>
    %get3A_13 = vector.shape_cast %get3A_12 : vector<1x512x128xf32> to vector<512x128xf32>
    %mul3A_14 = vector.broadcast %rsqrt3A : vector<512x1xf32> to vector<512x128xf32>
    %mul3A_15 = arith.mulf %mul3A_14, %get3A_13 : vector<512x128xf32>
    %get3A_16 = arith.constant 0 : index
    %get3A_17 = arith.constant 0 : index
    %get3A_18 = arith.constant 0 : index
    %get3A_19 = vector.load %arg3[%get3A_16, %get3A_17, %get3A_18] : memref<2x1x128xf32, #tpu.memory_space<vmem>>, vector<1x1x128xf32>
    %get3A_20 = vector.shape_cast %get3A_19 : vector<1x1x128xf32> to vector<1x128xf32>
    %add3A_21 = vector.broadcast %get3A_20 : vector<1x128xf32> to vector<512x128xf32>
    %add3A_22 = arith.addf %mul3A_15, %add3A_21 : vector<512x128xf32>
    %ge3A = arith.constant 0.000000e+00 : f32
    %ge3A_23 = vector.broadcast %ge3A : f32 to vector<512x128xf32>
    %ge3A_24 = arith.cmpf oge, %add3A_22, %ge3A_23 : vector<512x128xf32>
    %mul3A_25 = arith.constant 0.00999999977 : f32
    %mul3A_26 = vector.broadcast %mul3A_25 : f32 to vector<512x128xf32>
    %mul3A_27 = arith.mulf %mul3A_26, %add3A_22 : vector<512x128xf32>
    %select_n3A = arith.select %ge3A_24, %add3A_22, %mul3A_27 : vector<512x128xi1>, vector<512x128xf32>
    %jit3A = arith.constant 0.000000e+00 : f32
    %broadcast_in_dim3A = vector.broadcast %jit3A : f32 to vector<512x128xf32>
    %select_n3A_28 = arith.select %lt3A_2, %select_n3A, %broadcast_in_dim3A : vector<512x128xi1>, vector<512x128xf32>
    %reduce_sum3A = arith.constant dense<0.000000e+00> : vector<128xf32>
    %reduce_sum3A_29 = vector.multi_reduction <add>, %select_n3A_28, %reduce_sum3A [0] : vector<512x128xf32> to vector<128xf32>
    %broadcast_in_dim3A_30 = vector.shape_cast %reduce_sum3A_29 : vector<128xf32> to vector<1x128xf32>
    %get3A_31 = arith.constant 1 : index
    %get3A_32 = arith.constant 0 : index
    %get3A_33 = arith.constant 0 : index
    %get3A_34 = vector.load %arg2[%get3A_31, %get3A_32, %get3A_33] : memref<2x512x128xf32, #tpu.memory_space<vmem>>, vector<1x512x128xf32>
    %get3A_35 = vector.shape_cast %get3A_34 : vector<1x512x128xf32> to vector<512x128xf32>
    %slice3A_36 = vector.extract_strided_slice %get3A_35 {offsets = [0, 0], sizes = [512, 1], strides = [1, 1]} : vector<512x128xf32> to vector<512x1xf32>
    %add3A_37 = arith.constant 1.000000e+00 : f32
    %add3A_38 = vector.broadcast %add3A_37 : f32 to vector<512x1xf32>
    %add3A_39 = arith.addf %slice3A_36, %add3A_38 : vector<512x1xf32>
    %rsqrt3A_40 = math.rsqrt %add3A_39 : vector<512x1xf32>
    %get3A_41 = arith.constant 1 : index
    %get3A_42 = arith.constant 0 : index
    %get3A_43 = arith.constant 0 : index
    %get3A_44 = vector.load %arg1[%get3A_41, %get3A_42, %get3A_43] : memref<2x512x128xf32, #tpu.memory_space<vmem>>, vector<1x512x128xf32>
    %get3A_45 = vector.shape_cast %get3A_44 : vector<1x512x128xf32> to vector<512x128xf32>
    %mul3A_46 = vector.broadcast %rsqrt3A_40 : vector<512x1xf32> to vector<512x128xf32>
    %mul3A_47 = arith.mulf %mul3A_46, %get3A_45 : vector<512x128xf32>
    %get3A_48 = arith.constant 1 : index
    %get3A_49 = arith.constant 0 : index
    %get3A_50 = arith.constant 0 : index
    %get3A_51 = vector.load %arg3[%get3A_48, %get3A_49, %get3A_50] : memref<2x1x128xf32, #tpu.memory_space<vmem>>, vector<1x1x128xf32>
    %get3A_52 = vector.shape_cast %get3A_51 : vector<1x1x128xf32> to vector<1x128xf32>
    %add3A_53 = vector.broadcast %get3A_52 : vector<1x128xf32> to vector<512x128xf32>
    %add3A_54 = arith.addf %mul3A_47, %add3A_53 : vector<512x128xf32>
    %ge3A_55 = arith.constant 0.000000e+00 : f32
    %ge3A_56 = vector.broadcast %ge3A_55 : f32 to vector<512x128xf32>
    %ge3A_57 = arith.cmpf oge, %add3A_54, %ge3A_56 : vector<512x128xf32>
    %mul3A_58 = arith.constant 0.00999999977 : f32
    %mul3A_59 = vector.broadcast %mul3A_58 : f32 to vector<512x128xf32>
    %mul3A_60 = arith.mulf %mul3A_59, %add3A_54 : vector<512x128xf32>
    %select_n3A_61 = arith.select %ge3A_57, %add3A_54, %mul3A_60 : vector<512x128xi1>, vector<512x128xf32>
    %jit3A_62 = arith.constant 0.000000e+00 : f32
    %broadcast_in_dim3A_63 = vector.broadcast %jit3A_62 : f32 to vector<512x128xf32>
    %select_n3A_64 = arith.select %lt3A_2, %select_n3A_61, %broadcast_in_dim3A_63 : vector<512x128xi1>, vector<512x128xf32>
    %reduce_sum3A_65 = arith.constant dense<0.000000e+00> : vector<128xf32>
    %reduce_sum3A_66 = vector.multi_reduction <add>, %select_n3A_64, %reduce_sum3A_65 [0] : vector<512x128xf32> to vector<128xf32>
    %broadcast_in_dim3A_67 = vector.shape_cast %reduce_sum3A_66 : vector<128xf32> to vector<1x128xf32>
    %eq3A = arith.constant 0 : i32
    %eq3A_68 = arith.cmpi eq, %arg0, %eq3A : i32
    %convert_element_type3A = arith.extui %eq3A_68 : i1 to i32
    %cond3A = arith.constant 0 : i32
    %cond3A_69 = arith.cmpi ne, %convert_element_type3A, %cond3A : i32
    scf.if %cond3A_69 {
      %swap3A = arith.constant 0 : index
      %swap3A_79 = arith.constant 0 : index
      %swap3A_80 = vector.load %arg13[%swap3A, %swap3A_79] : memref<2x128xf32, #tpu.memory_space<vmem>>, vector<1x128xf32>
      tpu.vector_store %arg13[%swap3A, %swap3A_79], %broadcast_in_dim3A_30 {strides = array<i32>} : memref<2x128xf32, #tpu.memory_space<vmem>>, vector<1x128xf32>,
      %swap3A_81 = arith.constant 1 : index
      %swap3A_82 = arith.constant 0 : index
      %swap3A_83 = vector.load %arg13[%swap3A_81, %swap3A_82] : memref<2x128xf32, #tpu.memory_space<vmem>>, vector<1x128xf32>
      tpu.vector_store %arg13[%swap3A_81, %swap3A_82], %broadcast_in_dim3A_67 {strides = array<i32>} : memref<2x128xf32, #tpu.memory_space<vmem>>, vector<1x128xf32>,
    } else {
    }
    %gt3A = arith.constant 0 : i32
    %gt3A_70 = arith.cmpi sgt, %arg0, %gt3A : i32
    %convert_element_type3A_71 = arith.extui %gt3A_70 : i1 to i32
    %cond3A_72 = arith.constant 0 : i32
    %cond3A_73 = arith.cmpi ne, %convert_element_type3A_71, %cond3A_72 : i32
    scf.if %cond3A_73 {
      %get3A_79 = arith.constant 0 : index
      %get3A_80 = arith.constant 0 : index
      %get3A_81 = vector.load %arg13[%get3A_79, %get3A_80] : memref<2x128xf32, #tpu.memory_space<vmem>>, vector<1x128xf32>
      %add3A_82 = arith.addf %get3A_81, %broadcast_in_dim3A_30 : vector<1x128xf32>
      %swap3A = arith.constant 0 : index
      %swap3A_83 = arith.constant 0 : index
      %swap3A_84 = vector.load %arg13[%swap3A, %swap3A_83] : memref<2x128xf32, #tpu.memory_space<vmem>>, vector<1x128xf32>
      tpu.vector_store %arg13[%swap3A, %swap3A_83], %add3A_82 {strides = array<i32>} : memref<2x128xf32, #tpu.memory_space<vmem>>, vector<1x128xf32>,
      %get3A_85 = arith.constant 1 : index
      %get3A_86 = arith.constant 0 : index
      %get3A_87 = vector.load %arg13[%get3A_85, %get3A_86] : memref<2x128xf32, #tpu.memory_space<vmem>>, vector<1x128xf32>
      %add3A_88 = arith.addf %get3A_87, %broadcast_in_dim3A_67 : vector<1x128xf32>
      %swap3A_89 = arith.constant 1 : index
      %swap3A_90 = arith.constant 0 : index
      %swap3A_91 = vector.load %arg13[%swap3A_89, %swap3A_90] : memref<2x128xf32, #tpu.memory_space<vmem>>, vector<1x128xf32>
      tpu.vector_store %arg13[%swap3A_89, %swap3A_90], %add3A_88 {strides = array<i32>} : memref<2x128xf32, #tpu.memory_space<vmem>>, vector<1x128xf32>,
    } else {
    }
    %eq3A_74 = arith.constant 19 : i32
    %eq3A_75 = arith.cmpi eq, %arg0, %eq3A_74 : i32
    %convert_element_type3A_76 = arith.extui %eq3A_75 : i1 to i32
    %cond3A_77 = arith.constant 0 : i32
    %cond3A_78 = arith.cmpi ne, %convert_element_type3A_76, %cond3A_77 : i32
    scf.if %cond3A_78 {
      %get3A_79 = arith.constant 0 : index
      %get3A_80 = arith.constant 0 : index
      %get3A_81 = vector.load %arg13[%get3A_79, %get3A_80] : memref<2x128xf32, #tpu.memory_space<vmem>>, vector<1x128xf32>
      %mul3A_82 = arith.constant 9.99999974E-5 : f32
      %mul3A_83 = vector.broadcast %mul3A_82 : f32 to vector<1x128xf32>
      %mul3A_84 = arith.mulf %get3A_81, %mul3A_83 : vector<1x128xf32>
      %get3A_85 = arith.constant 1 : index
      %get3A_86 = arith.constant 0 : index
      %get3A_87 = vector.load %arg13[%get3A_85, %get3A_86] : memref<2x128xf32, #tpu.memory_space<vmem>>, vector<1x128xf32>
      %mul3A_88 = arith.constant 9.99999974E-5 : f32
      %mul3A_89 = vector.broadcast %mul3A_88 : f32 to vector<1x128xf32>
      %mul3A_90 = arith.mulf %get3A_87, %mul3A_89 : vector<1x128xf32>
      %get3A_91 = arith.constant 0 : index
      %get3A_92 = arith.constant 0 : index
      %get3A_93 = arith.constant 0 : index
      %get3A_94 = vector.load %arg4[%get3A_91, %get3A_92, %get3A_93] : memref<2x128x128xf32, #tpu.memory_space<vmem>>, vector<1x128x128xf32>
      %get3A_95 = vector.shape_cast %get3A_94 : vector<1x128x128xf32> to vector<128x128xf32>
      %dot_general3A = arith.constant dense<0.000000e+00> : vector<1x128xf32>
      %dot_general3A_96 = tpu.matmul %mul3A_84, %get3A_95, %dot_general3A {dimension_numbers = #tpu.dot_dimension_numbers<[1], [0], [0], [1], [0, 0, 1, 1], [], []>, transpose_lhs_hint = false} : vector<1x128xf32>, vector<128x128xf32>, vector<1x128xf32> -> vector<1x128xf32>
      %get3A_97 = arith.constant 0 : index
      %get3A_98 = arith.constant 0 : index
      %get3A_99 = arith.constant 0 : index
      %get3A_100 = vector.load %arg5[%get3A_97, %get3A_98, %get3A_99] : memref<2x1x128xf32, #tpu.memory_space<vmem>>, vector<1x1x128xf32>
      %get3A_101 = vector.shape_cast %get3A_100 : vector<1x1x128xf32> to vector<1x128xf32>
      %add3A_102 = arith.addf %dot_general3A_96, %get3A_101 : vector<1x128xf32>
      %ge3A_103 = arith.constant 0.000000e+00 : f32
      %ge3A_104 = vector.broadcast %ge3A_103 : f32 to vector<1x128xf32>
      %ge3A_105 = arith.cmpf oge, %add3A_102, %ge3A_104 : vector<1x128xf32>
      %mul3A_106 = arith.constant 0.00999999977 : f32
      %mul3A_107 = vector.broadcast %mul3A_106 : f32 to vector<1x128xf32>
      %mul3A_108 = arith.mulf %mul3A_107, %add3A_102 : vector<1x128xf32>
      %select_n3A_109 = arith.select %ge3A_105, %add3A_102, %mul3A_108 : vector<1x128xi1>, vector<1x128xf32>
      %get3A_110 = arith.constant 1 : index
      %get3A_111 = arith.constant 0 : index
      %get3A_112 = arith.constant 0 : index
      %get3A_113 = vector.load %arg4[%get3A_110, %get3A_111, %get3A_112] : memref<2x128x128xf32, #tpu.memory_space<vmem>>, vector<1x128x128xf32>
      %get3A_114 = vector.shape_cast %get3A_113 : vector<1x128x128xf32> to vector<128x128xf32>
      %dot_general3A_115 = arith.constant dense<0.000000e+00> : vector<1x128xf32>
      %dot_general3A_116 = tpu.matmul %mul3A_90, %get3A_114, %dot_general3A_115 {dimension_numbers = #tpu.dot_dimension_numbers<[1], [0], [0], [1], [0, 0, 1, 1], [], []>, transpose_lhs_hint = false} : vector<1x128xf32>, vector<128x128xf32>, vector<1x128xf32> -> vector<1x128xf32>
      %get3A_117 = arith.constant 1 : index
      %get3A_118 = arith.constant 0 : index
      %get3A_119 = arith.constant 0 : index
      %get3A_120 = vector.load %arg5[%get3A_117, %get3A_118, %get3A_119] : memref<2x1x128xf32, #tpu.memory_space<vmem>>, vector<1x1x128xf32>
      %get3A_121 = vector.shape_cast %get3A_120 : vector<1x1x128xf32> to vector<1x128xf32>
      %add3A_122 = arith.addf %dot_general3A_116, %get3A_121 : vector<1x128xf32>
      %ge3A_123 = arith.constant 0.000000e+00 : f32
      %ge3A_124 = vector.broadcast %ge3A_123 : f32 to vector<1x128xf32>
      %ge3A_125 = arith.cmpf oge, %add3A_122, %ge3A_124 : vector<1x128xf32>
      %mul3A_126 = arith.constant 0.00999999977 : f32
      %mul3A_127 = vector.broadcast %mul3A_126 : f32 to vector<1x128xf32>
      %mul3A_128 = arith.mulf %mul3A_127, %add3A_122 : vector<1x128xf32>
      %select_n3A_129 = arith.select %ge3A_125, %add3A_122, %mul3A_128 : vector<1x128xi1>, vector<1x128xf32>
      %get3A_130 = arith.constant 0 : index
      %get3A_131 = arith.constant 0 : index
      %get3A_132 = vector.load %arg6[%get3A_130, %get3A_131] : memref<256x256xf32, #tpu.memory_space<vmem>>, vector<128x256xf32>
      %dot_general3A_133 = arith.constant dense<0.000000e+00> : vector<1x256xf32>
      %dot_general3A_134 = tpu.matmul %select_n3A_109, %get3A_132, %dot_general3A_133 {dimension_numbers = #tpu.dot_dimension_numbers<[1], [0], [0], [1], [0, 0, 1, 1], [], []>, transpose_lhs_hint = false} : vector<1x128xf32>, vector<128x256xf32>, vector<1x256xf32> -> vector<1x256xf32>
      %get3A_135 = arith.constant 128 : index
      %get3A_136 = arith.constant 0 : index
      %get3A_137 = vector.load %arg6[%get3A_135, %get3A_136] : memref<256x256xf32, #tpu.memory_space<vmem>>, vector<128x256xf32>
      %dot_general3A_138 = arith.constant dense<0.000000e+00> : vector<1x256xf32>
      %dot_general3A_139 = tpu.matmul %select_n3A_129, %get3A_137, %dot_general3A_138 {dimension_numbers = #tpu.dot_dimension_numbers<[1], [0], [0], [1], [0, 0, 1, 1], [], []>, transpose_lhs_hint = false} : vector<1x128xf32>, vector<128x256xf32>, vector<1x256xf32> -> vector<1x256xf32>
      %add3A_140 = arith.addf %dot_general3A_134, %dot_general3A_139 : vector<1x256xf32>
      %get3A_141 = arith.constant 0 : index
      %get3A_142 = arith.constant 0 : index
      %get3A_143 = vector.load %arg7[%get3A_141, %get3A_142] : memref<1x256xf32, #tpu.memory_space<vmem>>, vector<1x256xf32>
      %add3A_144 = arith.addf %add3A_140, %get3A_143 : vector<1x256xf32>
      %ge3A_145 = arith.constant 0.000000e+00 : f32
      %ge3A_146 = vector.broadcast %ge3A_145 : f32 to vector<1x256xf32>
      %ge3A_147 = arith.cmpf oge, %add3A_144, %ge3A_146 : vector<1x256xf32>
      %mul3A_148 = arith.constant 0.00999999977 : f32
      %mul3A_149 = vector.broadcast %mul3A_148 : f32 to vector<1x256xf32>
      %mul3A_150 = arith.mulf %mul3A_149, %add3A_144 : vector<1x256xf32>
      %select_n3A_151 = arith.select %ge3A_147, %add3A_144, %mul3A_150 : vector<1x256xi1>, vector<1x256xf32>
      %get3A_152 = arith.constant 0 : index
      %get3A_153 = arith.constant 0 : index
      %get3A_154 = vector.load %arg8[%get3A_152, %get3A_153] : memref<256x64xf32, #tpu.memory_space<vmem>>, vector<256x64xf32>
      %dot_general3A_155 = arith.constant dense<0.000000e+00> : vector<1x64xf32>
      %dot_general3A_156 = tpu.matmul %select_n3A_151, %get3A_154, %dot_general3A_155 {dimension_numbers = #tpu.dot_dimension_numbers<[1], [0], [0], [1], [0, 0, 1, 1], [], []>, transpose_lhs_hint = false} : vector<1x256xf32>, vector<256x64xf32>, vector<1x64xf32> -> vector<1x64xf32>
      %get3A_157 = arith.constant 0 : index
      %get3A_158 = arith.constant 0 : index
      %get3A_159 = vector.load %arg9[%get3A_157, %get3A_158] : memref<1x64xf32, #tpu.memory_space<vmem>>, vector<1x64xf32>
      %add3A_160 = arith.addf %dot_general3A_156, %get3A_159 : vector<1x64xf32>
      %ge3A_161 = arith.constant 0.000000e+00 : f32
      %ge3A_162 = vector.broadcast %ge3A_161 : f32 to vector<1x64xf32>
      %ge3A_163 = arith.cmpf oge, %add3A_160, %ge3A_162 : vector<1x64xf32>
      %mul3A_164 = arith.constant 0.00999999977 : f32
      %mul3A_165 = vector.broadcast %mul3A_164 : f32 to vector<1x64xf32>
      %mul3A_166 = arith.mulf %mul3A_165, %add3A_160 : vector<1x64xf32>
      %select_n3A_167 = arith.select %ge3A_163, %add3A_160, %mul3A_166 : vector<1x64xi1>, vector<1x64xf32>
      %get3A_168 = arith.constant 0 : index
      %get3A_169 = arith.constant 0 : index
      %get3A_170 = vector.load %arg10[%get3A_168, %get3A_169] : memref<64x1xf32, #tpu.memory_space<vmem>>, vector<64x1xf32>
      %dot_general3A_171 = arith.constant dense<0.000000e+00> : vector<1x1xf32>
      %dot_general3A_172 = tpu.matmul %select_n3A_167, %get3A_170, %dot_general3A_171 {dimension_numbers = #tpu.dot_dimension_numbers<[1], [0], [0], [1], [0, 0, 1, 1], [], []>, transpose_lhs_hint = false} : vector<1x64xf32>, vector<64x1xf32>, vector<1x1xf32> -> vector<1x1xf32>
      %get3A_173 = arith.constant 0 : index
      %get3A_174 = arith.constant 0 : index
      %get3A_175 = vector.load %arg11[%get3A_173, %get3A_174] : memref<1x1xf32, #tpu.memory_space<vmem>>, vector<1x1xf32>
      %add3A_176 = arith.addf %dot_general3A_172, %get3A_175 : vector<1x1xf32>
      %logistic3A = arith.negf %add3A_176 : vector<1x1xf32>
      %logistic3A_177 = math.exp %logistic3A : vector<1x1xf32>
      %logistic3A_178 = arith.constant 1.000000e+00 : f32
      %logistic3A_179 = vector.broadcast %logistic3A_178 : f32 to vector<1x1xf32>
      %logistic3A_180 = arith.addf %logistic3A_179, %logistic3A_177 : vector<1x1xf32>
      %logistic3A_181 = arith.divf %logistic3A_179, %logistic3A_180 : vector<1x1xf32>
      %swap3A = arith.constant 0 : index
      %swap3A_182 = arith.constant 0 : index
      %swap3A_183 = vector.load %arg12[%swap3A, %swap3A_182] : memref<1x1xf32, #tpu.memory_space<vmem>>, vector<1x1xf32>
      tpu.vector_store %arg12[%swap3A, %swap3A_182], %logistic3A_181 {strides = array<i32>} : memref<1x1xf32, #tpu.memory_space<vmem>>, vector<1x1xf32>,
    } else {
    }
    return
  }
  func.func @transform_0(%arg0: i32) -> (i32, i32, i32) {
    %c0_i32 = arith.constant 0 : i32
    %c0_i32_0 = arith.constant 0 : i32
    %c0_i32_1 = arith.constant 0 : i32
    return %c0_i32, %arg0, %c0_i32_0 : i32, i32, i32
  }
  func.func @transform_1(%arg0: i32) -> (i32, i32, i32) {
    %c0_i32 = arith.constant 0 : i32
    %c0_i32_0 = arith.constant 0 : i32
    %c0_i32_1 = arith.constant 0 : i32
    return %c0_i32, %arg0, %c0_i32_0 : i32, i32, i32
  }
  func.func @transform_2(%arg0: i32) -> (i32, i32, i32) {
    %c0_i32 = arith.constant 0 : i32
    %c0_i32_0 = arith.constant 0 : i32
    %c0_i32_1 = arith.constant 0 : i32
    %c0_i32_2 = arith.constant 0 : i32
    return %c0_i32, %c0_i32_0, %c0_i32_1 : i32, i32, i32
  }
  func.func @transform_3(%arg0: i32) -> (i32, i32, i32) {
    %c0_i32 = arith.constant 0 : i32
    %c0_i32_0 = arith.constant 0 : i32
    %c0_i32_1 = arith.constant 0 : i32
    %c0_i32_2 = arith.constant 0 : i32
    return %c0_i32, %c0_i32_0, %c0_i32_1 : i32, i32, i32
  }
  func.func @transform_4(%arg0: i32) -> (i32, i32, i32) {
    %c0_i32 = arith.constant 0 : i32
    %c0_i32_0 = arith.constant 0 : i32
    %c0_i32_1 = arith.constant 0 : i32
    %c0_i32_2 = arith.constant 0 : i32
    return %c0_i32, %c0_i32_0, %c0_i32_1 : i32, i32, i32
  }
  func.func @transform_5(%arg0: i32) -> (i32, i32) {
    %c0_i32 = arith.constant 0 : i32
    %c0_i32_0 = arith.constant 0 : i32
    %c0_i32_1 = arith.constant 0 : i32
    return %c0_i32, %c0_i32_0 : i32, i32
  }
  func.func @transform_6(%arg0: i32) -> (i32, i32) {
    %c0_i32 = arith.constant 0 : i32
    %c0_i32_0 = arith.constant 0 : i32
    %c0_i32_1 = arith.constant 0 : i32
    return %c0_i32, %c0_i32_0 : i32, i32
  }
  func.func @transform_7(%arg0: i32) -> (i32, i32) {
    %c0_i32 = arith.constant 0 : i32
    %c0_i32_0 = arith.constant 0 : i32
    %c0_i32_1 = arith.constant 0 : i32
    return %c0_i32, %c0_i32_0 : i32, i32
  }
  func.func @transform_8(%arg0: i32) -> (i32, i32) {
    %c0_i32 = arith.constant 0 : i32
    %c0_i32_0 = arith.constant 0 : i32
    %c0_i32_1 = arith.constant 0 : i32
    return %c0_i32, %c0_i32_0 : i32, i32
  }
  func.func @transform_9(%arg0: i32) -> (i32, i32) {
    %c0_i32 = arith.constant 0 : i32
    %c0_i32_0 = arith.constant 0 : i32
    %c0_i32_1 = arith.constant 0 : i32
    return %c0_i32, %c0_i32_0 : i32, i32
  }
  func.func @transform_10(%arg0: i32) -> (i32, i32) {
    %c0_i32 = arith.constant 0 : i32
    %c0_i32_0 = arith.constant 0 : i32
    %c0_i32_1 = arith.constant 0 : i32
    return %c0_i32, %c0_i32_0 : i32, i32
  }
  func.func @transform_11(%arg0: i32) -> (i32, i32) {
    %c0_i32 = arith.constant 0 : i32
    %c0_i32_0 = arith.constant 0 : i32
    %c0_i32_1 = arith.constant 0 : i32
    return %c0_i32, %c0_i32_0 : i32, i32
  }
}

</mosaic_0001>

<sc_bundles>
// kernel: kernel.6.cloned.1.call-start
scs
__scs_entry_jumppad:
0x0: {  	(pc) =	sbr.rel $0x88, $3  }
0x1: {  	(tag) =	ssettag $0x0;
	lr =	simm.s32 $0x1  }
0x2: {  	[smem:$0x3F8F] =	sst lr;
	_ =	strace $0xD0000000  }
0x3: {  	_ = 	snop  }
0x4: {  	_ = 	snop  }
0x5: {  	_ = 	snop  }
0x6: {  	_ = 	snop  }
0x7: {  	_ = 	snop  }
__scs_overlays_trampoline_lowered:
0x8: {  	[smem:$0x3F9E] =	sst s0  }
0x9: {  	[smem:$0x3F9F] =	sst s1  }
0xa: {  	[smem:$0x3FA0] =	sst s2  }
0xb: {  	[smem:$0x3FA1] =	sst s3  }
0xc: {  	[smem:$0x3FA2] =	sst s4  }
0xd: {  	[smem:$0x3FA3] =	sst s5  }
0xe: {  	[smem:$0x3FA4] =	sst s6  }
0xf: {  	[smem:$0x3FA5] =	sst s7  }
0x10: {  	[smem:$0x3FA6] =	sst s8  }
0x11: {  	[smem:$0x3FA7] =	sst s9;
	s0 =	simm.s32 @!p0 $0x0  }
0x12: {  	s1 =	sld [smem:$0x3F8D];
	s0 =	simm.s32 @p0 $0x1  }
0x13: {  	[smem:$0x3FA8] =	sst s0;
	s0 =	simm.s32 @!p1 $0x0  }
0x14: {  	s2 =	sld [smem:$0x3F8C];
	s0 =	simm.s32 @p1 $0x1  }
0x15: {  	[smem:$0x3FA9] =	sst s0;
	s0 =	simm.s32 @!p2 $0x0  }
0x16: {  	s3 =	sld [smem:$0x3FDB];
	s0 =	simm.s32 @p2 $0x1  }
0x17: {  	s4 =	simm.s32 $0x1BF5;
	[smem:$0x3FAB] =	sst s0  }
0x18: {  	s0 =	sld [smem:$0x3F8E];
	_ =	swait.ge [sflag:s4], $0x0  }
0x19: {  	s7 =	sld [smem:$0x3F8F]  }
0x1a: {  	s8 =	sadd.s32 $0xFFFFE003, lr  }
0x1b: {  	s9 =	sadd.s32 $0xFFFFFEF7, lr;
	s5 =	simm.s32 $0xFFFFFFFF;
	p2 =	slt.u32 s8, $0xFFFFF086  }
0x1c: {  	p1 =	slt.u32 s9, $0xF7A;
	s5 =	simm.s32 @!p2 $0x0  }
0x1d: {  	s5 =	simm.s32 @p1 $0x1;
	p0 =	seq.s32 s7, s2  }
0x1e: {  	s7 =	smul.u32 @!p0 $0xF7A, s2;
	p2 =	seq.s32 @!p0 s5, $0x0  }
0x1f: {  	s9 =	smul.u32 $0xF7A, s1;
	s8 =	simm.s32 @!p0 $0x1BF5;
	p2 =	por !p2, p0  }
0x20: {  	[sflag:s8] =	ssyncset.s32 @!p0 $0xFFFFF086;
	s6 =	sadd.s32 @!p0 s3, s7;
	s7 =	simm.s32 @!p0 $0x108  }
0x21: {  	s3 =	sadd.s32 s3, s9;
	s6 =	sadd.s32 @!p0 $0x88, s6;
	s7 =	simm.s32 @p2 $0x1082  }
0x22: {  	[simem:s7], [sflag:s8] =	dma.local @!p0 [hbm:s6], $0xF7A  }
0x23: {  	s9 =	sor.u32 $0xD0000000, s2;
	s6 =	simm.s32 $0x108;
	_ =	swait.ge @!p0 [sflag:s8], $0x0  }
0x24: {  	s3 =	sadd.s32 $0x88, s3;
	s6 =	simm.s32 @!p1 $0x1082;
	[sflag:s4] =	ssyncset.s32 $0xFFFFF086  }
0x25: {  	[simem:s6], [sflag:s4] =	dma.local [hbm:s3], $0xF7A  }
0x26: {  	[smem:$0x3F8F] =	sst s1;
	(tag) =	ssettag s2;
	_ =	strace s9  }
0x27: {  	s1 =	sld [smem:$0x3F9F]  }
0x28: {  	s2 =	sld [smem:$0x3FA0]  }
0x29: {  	s4 =	sld [smem:$0x3FA2]  }
0x2a: {  	p0 =	seq.s32 s5, $0x0;
	s5 =	sld [smem:$0x3FA3]  }
0x2b: {  	s6 =	sld [smem:$0x3FA4]  }
0x2c: {  	s7 =	sld [smem:$0x3FA5]  }
0x2d: {  	s3 =	simm.s32 $0x108;
	s8 =	sld [smem:$0x3FA6]  }
0x2e: {  	s3 =	simm.s32 @!p0 $0x1082;
	s9 =	sld [smem:$0x3FA7]  }
0x2f: {  	lr =	sadd.s32 s0, s3;
	s0 =	sld [smem:$0x3F9E]  }
0x30: {  	s3 =	sld [smem:$0x3FA1]  }
0x31: {  	[smem:$0x3FAA] =	sst s10  }
0x32: {  	s10 =	sld [smem:$0x3FA8];
	_ =	sdelay $0x3  }
0x33: {  	p0 =	seq.s32 s10, $0x1;
	s10 =	sld [smem:$0x3FAA];
	_ =	sdelay $0x3  }
0x34: {  	[smem:$0x3FAA] =	sst s10  }
0x35: {  	s10 =	sld [smem:$0x3FA9];
	_ =	sdelay $0x3  }
0x36: {  	p1 =	seq.s32 s10, $0x1;
	s10 =	sld [smem:$0x3FAA];
	_ =	sdelay $0x3  }
0x37: {  	[smem:$0x3FAA] =	sst s10  }
0x38: {  	s10 =	sld [smem:$0x3FAB]  }
0x39: {  	_ = 	snop;
	(pc) =	sbr.ind lr, $3  }
0x3a: {  	_ = 	snop  }
0x3b: {  	_ = 	snop  }
0x3c: {  	p2 =	seq.s32 s10, $0x1;
	s10 =	sld [smem:$0x3FAA]  }
0x3d: {  	_ =	shalt  }
0x3e: {  	_ =	shalt  }
0x3f: {  	_ =	shalt  }
0x40: {  	_ =	shalt  }
0x41: {  	_ =	shalt  }
0x42: {  	_ =	shalt  }
0x43: {  	_ =	shalt  }
0x44: {  	_ =	shalt  }
0x45: {  	_ =	shalt  }
0x46: {  	_ =	shalt  }
0x47: {  	_ =	shalt  }
0x48: {  	_ =	shalt  }
0x49: {  	_ =	shalt  }
0x4a: {  	_ =	shalt  }
0x4b: {  	_ =	shalt  }
0x4c: {  	_ =	shalt  }
0x4d: {  	_ =	shalt  }
0x4e: {  	_ =	shalt  }
0x4f: {  	_ =	shalt  }
0x50: {  	_ =	shalt  }
0x51: {  	_ =	shalt  }
0x52: {  	_ =	shalt  }
0x53: {  	_ =	shalt  }
0x54: {  	_ =	shalt  }
0x55: {  	_ =	shalt  }
0x56: {  	_ =	shalt  }
0x57: {  	_ =	shalt  }
0x58: {  	_ =	shalt  }
0x59: {  	_ =	shalt  }
0x5a: {  	_ =	shalt  }
0x5b: {  	_ =	shalt  }
0x5c: {  	_ =	shalt  }
0x5d: {  	_ =	shalt  }
0x5e: {  	_ =	shalt  }
0x5f: {  	_ =	shalt  }
0x60: {  	_ =	shalt  }
0x61: {  	_ =	shalt  }
0x62: {  	_ =	shalt  }
0x63: {  	_ =	shalt  }
0x64: {  	_ =	shalt  }
0x65: {  	_ =	shalt  }
0x66: {  	_ =	shalt  }
0x67: {  	_ =	shalt  }
0x68: {  	_ =	shalt  }
0x69: {  	_ =	shalt  }
0x6a: {  	_ =	shalt  }
0x6b: {  	_ =	shalt  }
0x6c: {  	_ =	shalt  }
0x6d: {  	_ =	shalt  }
0x6e: {  	_ =	shalt  }
0x6f: {  	_ =	shalt  }
0x70: {  	_ =	shalt  }
0x71: {  	_ =	shalt  }
0x72: {  	_ =	shalt  }
0x73: {  	_ =	shalt  }
0x74: {  	_ =	shalt  }
0x75: {  	_ =	shalt  }
0x76: {  	_ =	shalt  }
0x77: {  	_ =	shalt  }
0x78: {  	_ =	shalt  }
0x79: {  	_ =	shalt  }
0x7a: {  	_ =	shalt  }
0x7b: {  	_ =	shalt  }
0x7c: {  	_ =	shalt  }
0x7d: {  	_ =	shalt  }
0x7e: {  	_ =	shalt  }
0x7f: {  	_ =	shalt  }
0x80: {  	_ =	shalt  }
0x81: {  	_ =	shalt  }
0x82: {  	_ =	shalt  }
0x83: {  	_ =	shalt  }
0x84: {  	_ =	shalt  }
0x85: {  	_ =	shalt  }
0x86: {  	_ =	shalt  }
0x87: {  	_ =	shalt  }
.Lfunc_end0:
.L_simem_size_0:
called_computation_lowered:
.L_overlay_start_0:
0x88: {  	s2 =	sld [smem:$0x3FD9]  }
0x89: {  	s3 =	sld [smem:$0x3FFE];
	_ =	sdelay $0x1  }
0x8a: {  	s1 =	srdreg.scid  }
0x8b: {  	s0 =	sand.u32 $0x1, s1  }
0x8c: {  	s16 =	sshll.u32 s0, $0xA;
	s2 =	sadd.s32 s3, s2  }
0x8d: {  	s2 =	sadd.s32 s2, s16  }
0x8e: {  	[smem:$0x3FB6] =	sst s2  }
0x8f: {  	_ = 	snop  }
0x90: {  	(tm) =	ssettm $0x1  }
0x91: {  	s17 =	sld [smem:$0x3FFB];
	_ =	sdelay $0x3  }
0x92: {  	_ =	strace s17  }
0x93: {  	s2 =	sld [smem:$0x3FFC];
	_ =	sdelay $0x3  }
0x94: {  	_ =	strace s2  }
0x95: {  	s2 =	sld [smem:$0x3FFD];
	_ =	sdelay $0x3  }
0x96: {  	_ =	strace s2  }
0x97: {  	_ =	strace $0x8FFFFFFF  }
0x98: {  	s18 =	sld [smem:$0x3FDB];
	_ =	sdelay $0x1  }
0x99: {  	s19 =	simm.s32 $_scs_section_size  }
0x9a: {  	s4 =	simm.s32 $_size__tile_overlayer_lowered;
	s5 =	simm.s32 $_tile_overlayer_lowered  }
0x9b: {  	s22 =	simm.s32 $0x1BFF;
	s21 =	sshll.u32 s5, $0x1;
	s2 =	sadd.s32 s19, s18  }
0x9c: {  	s6 =	simm.s32 $0x0;
	s20 =	sshll.u32 s4, $0x1;
	s4 =	sadd.s32 s21, s2  }
0x9d: {  	[timem:s6], [sflag:s22] =	dma.local [hbm:s4], s20  }
0x9e: {  	_ =	swait.ge [sflag:s22], s20  }
0x9f: {  	s3 =	ssub.s32 $0x0, s20;
	[sflag:s22] =	ssyncset.done $0x0  }
0xa0: {  	[sflag:s22] =	ssyncadd.s32 s3;
	_ =	sdelay $0x1  }
0xa1: {  	s23 =	simm.s32 $0x1B8B  }
0xa2: {  	_ =	swait.ge [sflag:s23], $0x1  }
0xa3: {  	[sflag:s23] =	ssyncset.done $0x0  }
0xa4: {  	s25 =	simm.s32 $0x1B8E;
	s24 =	sld [smem:$0x3FFE];
	[sflag:s23] =	ssyncadd.s32 $0xFFFFFFFF  }
0xa5: {  	s26 =	simm.s32 $execute0_lowered;
	[smem:$0x3FD2] =	sst s25  }
0xa6: {  	s4 =	sshll.u32 s26, $0x1;
	_ =	strace $0x80000046;
	[dreg:$0x1] =	wrdreg $0xFFFFFFFF  }
0xa7: {  	s28 =	simm.s32 $_size_execute0_lowered;
	s2 =	sadd.s32 s2, s4;
	[dreg:$0x0] =	wrdreg $0x0  }
0xa8: {  	s4 =	sshll.u32 s28, $0x1;
	[dreg:$0x2] =	wrdreg s2  }
0xa9: {  	[dreg:$0x3] =	wrdreg s4  }
0xaa: {  	[dreg:$0x4] =	wrdreg $0xC0  }
0xab: {  	_ =	task [dreg:s6], $0x5FFFF  }
0xac: {  	[dreg:$0x1] =	wrdreg $0xFFFFFFFF  }
0xad: {  	[dreg:$0x0] =	wrdreg $0x60  }
0xae: {  	[dreg:$0x2] =	wrdreg s24  }
0xaf: {  	[dreg:$0x3] =	wrdreg $0x0  }
0xb0: {  	[dreg:$0x4] =	wrdreg $0x9  }
0xb1: {  	_ =	task.clear_ibuf [dreg:s6], $0x5FFFF;
	_ =	strace $0x90000046  }
0xb2: {  	s29 =	simm.s32 $0x9;
	_ =	strace $0x80000048  }
0xb3: {  	_ =	swait.ge [sflag:s29], $0x1  }
0xb4: {  	[sflag:s29] =	ssyncadd.s32 $0xFFFFFFFF  }
0xb5: {  	_ =	strace $0x90000048  }
0xb6: {  	_ =	sfence  }
0xb7: {  	s30 =	sld [smem:$0x0];
	_ =	sdelay $0x2  }
0xb8: {  	s31 =	sshll.u32 s1, $0xD;
	s1 =	sshrl.u32 s1, $0x2  }
0xb9: {  	s3 =	sand.u32 $0x4000, s31;
	s1 =	sadd.s32 s1, s30  }
0xba: {  	s0 =	sor.u32 s3, s0;
	s1 =	sshll.u32 s1, $0x11  }
0xbb: {  	s0 =	sor.u32 s1, s0  }
0xbc: {  	s0 =	sadd.s32 $0x8F2B, s0  }
0xbd: {  	[sflag:s0] =	ssyncadd.remote.s32 $0x1  }
0xbe: {  	_ =	sfence.sel $0xFFFF  }
0xbf: {  	[dreg:$0x0] =	wrdreg $0xFFFFFFFF;
	(pc) =	sbr.abs _section_cstart, $3  }
0xc0: {  	[dreg:$0x1] =	wrdreg $0xFFFFFFFF  }
0xc1: {  	_ =	task.clear_ibuf [dreg:s6], $0x2FFFF;
	_ =	strace $0x9FFFFFFF  }
0xc2: {  	(tm) =	ssettm $0x7FFFFFFF  }
0xc3: {  	_ =	shalt  }
tec
execute0_lowered:
.L_overlay_start_1:
0x0: {  	(tag) =	ssettag $0x1  }
0x1: {  	s5 =	rddreg [dreg:$0x0]  }
0x2: {  	s2 =	rddreg [dreg:$0x1]  }
0x3: {  	s0 =	srdreg.scid;
	s1 =	rddreg [dreg:$0x2]  }
0x4: {  	s3 =	simm.s32 $0x0;
	s14 =	simm.s32 $0x1;
	s6 =	sand.u32 $0x1, s0  }
0x5: {  	s15 =	simm.s32 $0x15400;
	s0 =	stileid.u32;
	s4 =	smul.u32 $0x50000, s6  }
0x6: {  	s16 =	simm.s32 $0x14000;
	s17 =	simm.s32 $0x80;
	s7 =	smul.u32 $0x5000, s0  }
0x7: {  	s18 =	simm.s32 $0x0;
	[smem:$0x7FF] =	sst s3;
	s26 =	smul.u32 $0x14000, s0  }
0x8: {  	s8 =	smul.u32 $0x140000, s6;
	_ =	strace $0x80000047;
	s6 =	ssub.s32 $0x2, s6  }
0x9: {  	s28 =	smul.u32 $0x50000, s0;
	s31 =	sshll.u32 s0, $0x6;
	s29 =	sshrl.u32 s6, $0x1  }
0xa: {  	s4 =	sadd.s32 s4, s7;
	s9 =	sshrl.u32 s26, $0x3;
	s7 =	sadd.s32 s26, s8  }
0xb: {  	s10 =	ssub.s32 s6, s29;
	s30 =	sshrl.u32 s28, $0x2;
	s6 =	sor.u32 $0x1C01, s31  }
0xc: {  	s4 =	sshrl.u32 s4, $0x3;
	s7 =	sshrl.u32 s7, $0x3;
	s9 =	sadd.s32 s9, s5  }
0xd: {  	s13 =	sadd.s32 s30, s2;
	s8 =	smax.u32 s10, $0x1;
	s12 =	sadd.s32 s4, s5  }
0xe: {  	s4 =	sadd.s32 $0x3FA00, s5;
	s7 =	sadd.s32 s7, s5;
	s5 =	sadd.s32 $0x17A00, s9  }
0xf: {  	s13 =	sshrl.u32 s13, $0x3;
	s7 =	sadd.s32 $0x40200, s7;
	s9 =	sadd.s32 $0x3A00, s12  }
0x10: {  	s10 =	sadd.s32 $0x3C80, s12;
	s11 =	sadd.s32 $0x3F00, s12;
	s12 =	sadd.s32 $0x4180, s12  }
.LBB2_1:
0x11: {  	[spmem:s13], [sflag:s6] =	dma.local [hbm:s5], $0x2800  }
0x12: {  	_ =	swait.ge [sflag:s14], $0x2800  }
0x13: {  	[sflag:s14] =	ssyncset.done $0x0  }
0x14: {  	[sflag:s14] =	ssyncadd.s32 $0xFFFFD800  }
0x15: {  	[tilespmem:s15], [sflag:$0x1] =	stream.linear.gather [hbm4b:s4+s3], $0x4000, $0x38;
	[tilespmem:$0x19400] =	vst v63  }
0x16: {  	_ =	swait.ge [sflag:s14], $0x4000  }
0x17: {  	[sflag:s14] =	ssyncset.done $0x0  }
0x18: {  	[sflag:s14] =	ssyncadd.s32 $0xFFFFC000  }
0x19: {  	[bflag:$0x0] =	sbarrier.arrive $0xFFFF  }
0x1a: {  	[tilespmem:s16], [sflag:$0x1] =	stream.linear.gather [hbm4b:s9+s3], $0x1400, $0x38;
	[tilespmem:$0x19400] =	vst v63  }
0x1b: {  	_ =	swait.ge [sflag:s14], $0x1400  }
0x1c: {  	[sflag:s14] =	ssyncset.done $0x0  }
0x1d: {  	s19 =	simm.s32 $0x14000;
	[sflag:s14] =	ssyncadd.s32 $0xFFFFEC00  }
0x1e: {  	[spmem:s2] =	stream.indirect.scatter.add.f32 [tilespmem:s15], [sflag:$0x1], $0x80, s19, s17, $0xb8;
	[tilespmem:$0x19400] =	vst v63  }
0x1f: {  	s19 =	simm.s32 $0x200;
	_ =	swait.ge [sflag:s14], $0x4000  }
.LBB2_2:
0x20: {  	s20 =	sshra.s32 s19, $0x2;
	[sflag:s14] =	ssyncset.done $0x0;
	p0 =	sne.s32 s19, $0x4E00  }
.Ltmp0:
0x21: {  	s20 =	sadd.s32 $0x14000, s20;
	[sflag:s14] =	ssyncadd.s32 $0xFFFFC000;
	(pc) =	sbr.rel @p0 .LBB2_2-.Ltmp0, $3  }
0x22: {  	[spmem:s2] =	stream.indirect.scatter.add.f32 [tilespmem:s15], [sflag:$0x1], $0x80, s20, s17, $0xb8;
	[tilespmem:$0x19400] =	vst v63  }
0x23: {  	s19 =	sadd.s32 $0x200, s19;
	_ =	sdelay $0x1  }
0x24: {  	_ =	swait.ge [sflag:s14], $0x4000  }
0x25: {  	[sflag:s14] =	ssyncset.done $0x0  }
0x26: {  	s19 =	simm.s32 $0x0;
	[sflag:s14] =	ssyncadd.s32 $0xFFFFC000  }
0x27: {  	[tilespmem:s16], [sflag:$0x1] =	stream.linear.gather [hbm4b:s10+s19], $0x1400, $0x38;
	[tilespmem:$0x19400] =	vst v63  }
0x28: {  	_ =	swait.ge [sflag:s14], $0x1400  }
0x29: {  	[sflag:s14] =	ssyncset.done $0x0  }
0x2a: {  	s31 =	simm.s32 $0x14000;
	[sflag:s14] =	ssyncadd.s32 $0xFFFFEC00  }
0x2b: {  	[spmem:s2] =	stream.indirect.scatter.add.f32 [tilespmem:s15], [sflag:$0x1], $0x80, s31, s17, $0xb8;
	[tilespmem:$0x19400] =	vst v63  }
0x2c: {  	s19 =	simm.s32 $0x200;
	_ =	swait.ge [sflag:s14], $0x4000  }
.LBB2_4:
0x2d: {  	s20 =	sshra.s32 s19, $0x2;
	[sflag:s14] =	ssyncset.done $0x0;
	p0 =	sne.s32 s19, $0x4E00  }
.Ltmp1:
0x2e: {  	s20 =	sadd.s32 $0x14000, s20;
	[sflag:s14] =	ssyncadd.s32 $0xFFFFC000;
	(pc) =	sbr.rel @p0 .LBB2_4-.Ltmp1, $3  }
0x2f: {  	[spmem:s2] =	stream.indirect.scatter.add.f32 [tilespmem:s15], [sflag:$0x1], $0x80, s20, s17, $0xb8;
	[tilespmem:$0x19400] =	vst v63  }
0x30: {  	s19 =	sadd.s32 $0x200, s19;
	_ =	sdelay $0x1  }
0x31: {  	_ =	swait.ge [sflag:s14], $0x4000  }
0x32: {  	[sflag:s14] =	ssyncset.done $0x0  }
0x33: {  	s19 =	simm.s32 $0x0;
	[sflag:s14] =	ssyncadd.s32 $0xFFFFC000  }
0x34: {  	[tilespmem:s16], [sflag:$0x1] =	stream.linear.gather [hbm4b:s11+s19], $0x1400, $0x38;
	[tilespmem:$0x19400] =	vst v63  }
0x35: {  	_ =	swait.ge [sflag:s14], $0x1400  }
0x36: {  	[sflag:s14] =	ssyncset.done $0x0  }
0x37: {  	s31 =	simm.s32 $0x14000;
	[sflag:s14] =	ssyncadd.s32 $0xFFFFEC00  }
0x38: {  	[spmem:s2] =	stream.indirect.scatter.add.f32 [tilespmem:s15], [sflag:$0x1], $0x80, s31, s17, $0xb8;
	[tilespmem:$0x19400] =	vst v63  }
0x39: {  	s19 =	simm.s32 $0x200;
	_ =	swait.ge [sflag:s14], $0x4000  }
.LBB2_6:
0x3a: {  	s20 =	sshra.s32 s19, $0x2;
	[sflag:s14] =	ssyncset.done $0x0;
	p0 =	sne.s32 s19, $0x4E00  }
.Ltmp2:
0x3b: {  	s20 =	sadd.s32 $0x14000, s20;
	[sflag:s14] =	ssyncadd.s32 $0xFFFFC000;
	(pc) =	sbr.rel @p0 .LBB2_6-.Ltmp2, $3  }
0x3c: {  	[spmem:s2] =	stream.indirect.scatter.add.f32 [tilespmem:s15], [sflag:$0x1], $0x80, s20, s17, $0xb8;
	[tilespmem:$0x19400] =	vst v63  }
0x3d: {  	s19 =	sadd.s32 $0x200, s19;
	_ =	sdelay $0x1  }
0x3e: {  	_ =	swait.ge [sflag:s14], $0x4000  }
0x3f: {  	[sflag:s14] =	ssyncset.done $0x0  }
0x40: {  	s19 =	simm.s32 $0x0;
	[sflag:s14] =	ssyncadd.s32 $0xFFFFC000  }
0x41: {  	[tilespmem:s16], [sflag:$0x1] =	stream.linear.gather [hbm4b:s12+s19], $0x1400, $0x38;
	[tilespmem:$0x19400] =	vst v63  }
0x42: {  	_ =	swait.ge [sflag:s14], $0x1400  }
0x43: {  	[sflag:s14] =	ssyncset.done $0x0  }
0x44: {  	s31 =	simm.s32 $0x14000;
	[sflag:s14] =	ssyncadd.s32 $0xFFFFEC00  }
0x45: {  	[spmem:s2] =	stream.indirect.scatter.add.f32 [tilespmem:s15], [sflag:$0x1], $0x80, s31, s17, $0xb8;
	[tilespmem:$0x19400] =	vst v63  }
0x46: {  	s19 =	simm.s32 $0x200;
	_ =	swait.ge [sflag:s14], $0x4000  }
.LBB2_8:
0x47: {  	s20 =	sshra.s32 s19, $0x2;
	[sflag:s14] =	ssyncset.done $0x0;
	p0 =	sne.s32 s19, $0x4E00  }
.Ltmp3:
0x48: {  	s20 =	sadd.s32 $0x14000, s20;
	[sflag:s14] =	ssyncadd.s32 $0xFFFFC000;
	(pc) =	sbr.rel @p0 .LBB2_8-.Ltmp3, $3  }
0x49: {  	[spmem:s2] =	stream.indirect.scatter.add.f32 [tilespmem:s15], [sflag:$0x1], $0x80, s20, s17, $0xb8;
	[tilespmem:$0x19400] =	vst v63  }
0x4a: {  	s19 =	sadd.s32 $0x200, s19;
	_ =	sdelay $0x1  }
0x4b: {  	_ =	swait.ge [sflag:s14], $0x4000  }
0x4c: {  	[sflag:s14] =	ssyncset.done $0x0;
	s18 =	sadd.s32 $0x1, s18  }
0x4d: {  	[sflag:s14] =	ssyncadd.s32 $0xFFFFC000;
	p0 =	sne.s32 s18, s8  }
.Ltmp4:
0x4e: {  	[bflag:$0x0] =	sbarrier.arrive $0xFFFF;
	(pc) =	sbr.rel @p0 .LBB2_1-.Ltmp4, $4  }
0x4f: {  	[hbm:s7], [sflag:s6] =	dma.local [spmem:s13], $0x2800  }
0x50: {  	_ =	swait.ge [sflag:s14], $0x2800  }
0x51: {  	[sflag:s14] =	ssyncset.done $0x0  }
0x52: {  	[sflag:s14] =	ssyncadd.s32 $0xFFFFD800  }
0x53: {  	_ =	sfence.sel $0x180000  }
0x54: {  	[bflag:$0x0] =	sbarrier.arrive $0xFFFF  }
0x55: {  	p0 =	sne.s32 s0, $0x0;
	_ =	strace $0x90000047  }
0x56: {  	s0 =	sadd.s32 @!p0 $0x100000, s1;
	[bflag:$0x2] =	sbarrier.arrive $0xFFFF  }
0x57: {  	[sflag:s0] =	ssyncadd.tile.s32 @!p0 $0x1;
	_ =	shalt  }
.Lfunc_end2:
_tile_overlayer_lowered:
.L_overlay_start_2:
0x58: {  	(tag) =	ssettag $0x2  }
0x59: {  	s0 =	rddreg [dreg:$0x0];
	s2 =	stileid.u32  }
0x5a: {  	s1 =	rddreg [dreg:$0x1];
	p0 =	sne.s32 s2, $0x0  }
0x5b: {  	s3 =	rddreg [dreg:$0x2];
	[bflag:$0x3] =	sbarrier.arrive $0xFFFF;
	s2 =	simm.s32 @!p0 $0x1C01  }
0x5c: {  	[timem:s3], [sflag:s2] =	dma.local @!p0 [hbm:s0], s1  }
0x5d: {  	s0 =	simm.s32 @!p0 $0x1  }
0x5e: {  	_ =	swait.ge @!p0 [sflag:s0], s1  }
0x5f: {  	s1 =	ssub.s32 @!p0 $0x0, s1;
	[sflag:s0] =	ssyncset.done @!p0 $0x0  }
0x60: {  	[sflag:s0] =	ssyncadd.s32 @!p0 s1  }
0x61: {  	[bflag:$0x3] =	sbarrier.arrive $0xFFFF  }
0x62: {  	_ =	shalt  }

// kernel: kernel.9.cloned.1.call-start
scs
__scs_entry_jumppad:
0x0: {  	(pc) =	sbr.rel $0x88, $3  }
0x1: {  	(tag) =	ssettag $0x0;
	lr =	simm.s32 $0x1  }
0x2: {  	[smem:$0x3F8F] =	sst lr;
	_ =	strace $0xD0000000  }
0x3: {  	_ = 	snop  }
0x4: {  	_ = 	snop  }
0x5: {  	_ = 	snop  }
0x6: {  	_ = 	snop  }
0x7: {  	_ = 	snop  }
__scs_overlays_trampoline_lowered:
0x8: {  	[smem:$0x3F9E] =	sst s0  }
0x9: {  	[smem:$0x3F9F] =	sst s1  }
0xa: {  	[smem:$0x3FA0] =	sst s2  }
0xb: {  	[smem:$0x3FA1] =	sst s3  }
0xc: {  	[smem:$0x3FA2] =	sst s4  }
0xd: {  	[smem:$0x3FA3] =	sst s5  }
0xe: {  	[smem:$0x3FA4] =	sst s6  }
0xf: {  	[smem:$0x3FA5] =	sst s7  }
0x10: {  	[smem:$0x3FA6] =	sst s8  }
0x11: {  	[smem:$0x3FA7] =	sst s9;
	s0 =	simm.s32 @!p0 $0x0  }
0x12: {  	s1 =	sld [smem:$0x3F8D];
	s0 =	simm.s32 @p0 $0x1  }
0x13: {  	[smem:$0x3FA8] =	sst s0;
	s0 =	simm.s32 @!p1 $0x0  }
0x14: {  	s2 =	sld [smem:$0x3F8C];
	s0 =	simm.s32 @p1 $0x1  }
0x15: {  	[smem:$0x3FA9] =	sst s0;
	s0 =	simm.s32 @!p2 $0x0  }
0x16: {  	s3 =	sld [smem:$0x3FDB];
	s0 =	simm.s32 @p2 $0x1  }
0x17: {  	s4 =	simm.s32 $0x1BF5;
	[smem:$0x3FAB] =	sst s0  }
0x18: {  	s0 =	sld [smem:$0x3F8E];
	_ =	swait.ge [sflag:s4], $0x0  }
0x19: {  	s7 =	sld [smem:$0x3F8F]  }
0x1a: {  	s8 =	sadd.s32 $0xFFFFE003, lr  }
0x1b: {  	s9 =	sadd.s32 $0xFFFFFEF7, lr;
	s5 =	simm.s32 $0xFFFFFFFF;
	p2 =	slt.u32 s8, $0xFFFFF086  }
0x1c: {  	p1 =	slt.u32 s9, $0xF7A;
	s5 =	simm.s32 @!p2 $0x0  }
0x1d: {  	s5 =	simm.s32 @p1 $0x1;
	p0 =	seq.s32 s7, s2  }
0x1e: {  	s7 =	smul.u32 @!p0 $0xF7A, s2;
	p2 =	seq.s32 @!p0 s5, $0x0  }
0x1f: {  	s9 =	smul.u32 $0xF7A, s1;
	s8 =	simm.s32 @!p0 $0x1BF5;
	p2 =	por !p2, p0  }
0x20: {  	[sflag:s8] =	ssyncset.s32 @!p0 $0xFFFFF086;
	s6 =	sadd.s32 @!p0 s3, s7;
	s7 =	simm.s32 @!p0 $0x108  }
0x21: {  	s3 =	sadd.s32 s3, s9;
	s6 =	sadd.s32 @!p0 $0x88, s6;
	s7 =	simm.s32 @p2 $0x1082  }
0x22: {  	[simem:s7], [sflag:s8] =	dma.local @!p0 [hbm:s6], $0xF7A  }
0x23: {  	s9 =	sor.u32 $0xD0000000, s2;
	s6 =	simm.s32 $0x108;
	_ =	swait.ge @!p0 [sflag:s8], $0x0  }
0x24: {  	s3 =	sadd.s32 $0x88, s3;
	s6 =	simm.s32 @!p1 $0x1082;
	[sflag:s4] =	ssyncset.s32 $0xFFFFF086  }
0x25: {  	[simem:s6], [sflag:s4] =	dma.local [hbm:s3], $0xF7A  }
0x26: {  	[smem:$0x3F8F] =	sst s1;
	(tag) =	ssettag s2;
	_ =	strace s9  }
0x27: {  	s1 =	sld [smem:$0x3F9F]  }
0x28: {  	s2 =	sld [smem:$0x3FA0]  }
0x29: {  	s4 =	sld [smem:$0x3FA2]  }
0x2a: {  	p0 =	seq.s32 s5, $0x0;
	s5 =	sld [smem:$0x3FA3]  }
0x2b: {  	s6 =	sld [smem:$0x3FA4]  }
0x2c: {  	s7 =	sld [smem:$0x3FA5]  }
0x2d: {  	s3 =	simm.s32 $0x108;
	s8 =	sld [smem:$0x3FA6]  }
0x2e: {  	s3 =	simm.s32 @!p0 $0x1082;
	s9 =	sld [smem:$0x3FA7]  }
0x2f: {  	lr =	sadd.s32 s0, s3;
	s0 =	sld [smem:$0x3F9E]  }
0x30: {  	s3 =	sld [smem:$0x3FA1]  }
0x31: {  	[smem:$0x3FAA] =	sst s10  }
0x32: {  	s10 =	sld [smem:$0x3FA8];
	_ =	sdelay $0x3  }
0x33: {  	p0 =	seq.s32 s10, $0x1;
	s10 =	sld [smem:$0x3FAA];
	_ =	sdelay $0x3  }
0x34: {  	[smem:$0x3FAA] =	sst s10  }
0x35: {  	s10 =	sld [smem:$0x3FA9];
	_ =	sdelay $0x3  }
0x36: {  	p1 =	seq.s32 s10, $0x1;
	s10 =	sld [smem:$0x3FAA];
	_ =	sdelay $0x3  }
0x37: {  	[smem:$0x3FAA] =	sst s10  }
0x38: {  	s10 =	sld [smem:$0x3FAB]  }
0x39: {  	_ = 	snop;
	(pc) =	sbr.ind lr, $3  }
0x3a: {  	_ = 	snop  }
0x3b: {  	_ = 	snop  }
0x3c: {  	p2 =	seq.s32 s10, $0x1;
	s10 =	sld [smem:$0x3FAA]  }
0x3d: {  	_ =	shalt  }
0x3e: {  	_ =	shalt  }
0x3f: {  	_ =	shalt  }
0x40: {  	_ =	shalt  }
0x41: {  	_ =	shalt  }
0x42: {  	_ =	shalt  }
0x43: {  	_ =	shalt  }
0x44: {  	_ =	shalt  }
0x45: {  	_ =	shalt  }
0x46: {  	_ =	shalt  }
0x47: {  	_ =	shalt  }
0x48: {  	_ =	shalt  }
0x49: {  	_ =	shalt  }
0x4a: {  	_ =	shalt  }
0x4b: {  	_ =	shalt  }
0x4c: {  	_ =	shalt  }
0x4d: {  	_ =	shalt  }
0x4e: {  	_ =	shalt  }
0x4f: {  	_ =	shalt  }
0x50: {  	_ =	shalt  }
0x51: {  	_ =	shalt  }
0x52: {  	_ =	shalt  }
0x53: {  	_ =	shalt  }
0x54: {  	_ =	shalt  }
0x55: {  	_ =	shalt  }
0x56: {  	_ =	shalt  }
0x57: {  	_ =	shalt  }
0x58: {  	_ =	shalt  }
0x59: {  	_ =	shalt  }
0x5a: {  	_ =	shalt  }
0x5b: {  	_ =	shalt  }
0x5c: {  	_ =	shalt  }
0x5d: {  	_ =	shalt  }
0x5e: {  	_ =	shalt  }
0x5f: {  	_ =	shalt  }
0x60: {  	_ =	shalt  }
0x61: {  	_ =	shalt  }
0x62: {  	_ =	shalt  }
0x63: {  	_ =	shalt  }
0x64: {  	_ =	shalt  }
0x65: {  	_ =	shalt  }
0x66: {  	_ =	shalt  }
0x67: {  	_ =	shalt  }
0x68: {  	_ =	shalt  }
0x69: {  	_ =	shalt  }
0x6a: {  	_ =	shalt  }
0x6b: {  	_ =	shalt  }
0x6c: {  	_ =	shalt  }
0x6d: {  	_ =	shalt  }
0x6e: {  	_ =	shalt  }
0x6f: {  	_ =	shalt  }
0x70: {  	_ =	shalt  }
0x71: {  	_ =	shalt  }
0x72: {  	_ =	shalt  }
0x73: {  	_ =	shalt  }
0x74: {  	_ =	shalt  }
0x75: {  	_ =	shalt  }
0x76: {  	_ =	shalt  }
0x77: {  	_ =	shalt  }
0x78: {  	_ =	shalt  }
0x79: {  	_ =	shalt  }
0x7a: {  	_ =	shalt  }
0x7b: {  	_ =	shalt  }
0x7c: {  	_ =	shalt  }
0x7d: {  	_ =	shalt  }
0x7e: {  	_ =	shalt  }
0x7f: {  	_ =	shalt  }
0x80: {  	_ =	shalt  }
0x81: {  	_ =	shalt  }
0x82: {  	_ =	shalt  }
0x83: {  	_ =	shalt  }
0x84: {  	_ =	shalt  }
0x85: {  	_ =	shalt  }
0x86: {  	_ =	shalt  }
0x87: {  	_ =	shalt  }
.Lfunc_end0:
.L_simem_size_0:
called_computation.1_lowered:
.L_overlay_start_0:
0x88: {  	s2 =	sld [smem:$0x3FD9]  }
0x89: {  	s3 =	sld [smem:$0x3FFE];
	_ =	sdelay $0x1  }
0x8a: {  	s1 =	srdreg.scid  }
0x8b: {  	s0 =	sand.u32 $0x1, s1  }
0x8c: {  	s16 =	sshll.u32 s0, $0xA;
	s2 =	sadd.s32 s3, s2  }
0x8d: {  	s2 =	sadd.s32 s2, s16  }
0x8e: {  	[smem:$0x3FB6] =	sst s2  }
0x8f: {  	_ = 	snop  }
0x90: {  	(tm) =	ssettm $0x1  }
0x91: {  	s17 =	sld [smem:$0x3FFB];
	_ =	sdelay $0x3  }
0x92: {  	_ =	strace s17  }
0x93: {  	s2 =	sld [smem:$0x3FFC];
	_ =	sdelay $0x3  }
0x94: {  	_ =	strace s2  }
0x95: {  	s2 =	sld [smem:$0x3FFD];
	_ =	sdelay $0x3  }
0x96: {  	_ =	strace s2  }
0x97: {  	_ =	strace $0x8FFFFFFF  }
0x98: {  	s18 =	sld [smem:$0x3FDB];
	_ =	sdelay $0x1  }
0x99: {  	s19 =	simm.s32 $_scs_section_size  }
0x9a: {  	s4 =	simm.s32 $_size__tile_overlayer_lowered;
	s5 =	simm.s32 $_tile_overlayer_lowered  }
0x9b: {  	s22 =	simm.s32 $0x1BFF;
	s21 =	sshll.u32 s5, $0x1;
	s2 =	sadd.s32 s19, s18  }
0x9c: {  	s6 =	simm.s32 $0x0;
	s20 =	sshll.u32 s4, $0x1;
	s4 =	sadd.s32 s21, s2  }
0x9d: {  	[timem:s6], [sflag:s22] =	dma.local [hbm:s4], s20  }
0x9e: {  	_ =	swait.ge [sflag:s22], s20  }
0x9f: {  	s3 =	ssub.s32 $0x0, s20;
	[sflag:s22] =	ssyncset.done $0x0  }
0xa0: {  	[sflag:s22] =	ssyncadd.s32 s3;
	_ =	sdelay $0x1  }
0xa1: {  	s23 =	simm.s32 $0x1B8B  }
0xa2: {  	_ =	swait.ge [sflag:s23], $0x1  }
0xa3: {  	[sflag:s23] =	ssyncset.done $0x0  }
0xa4: {  	s25 =	simm.s32 $0x1B8E;
	s24 =	sld [smem:$0x3FFE];
	[sflag:s23] =	ssyncadd.s32 $0xFFFFFFFF  }
0xa5: {  	s26 =	simm.s32 $execute0_lowered;
	[smem:$0x3FD2] =	sst s25  }
0xa6: {  	s4 =	sshll.u32 s26, $0x1;
	_ =	strace $0x80000049;
	[dreg:$0x1] =	wrdreg $0xFFFFFFFF  }
0xa7: {  	s28 =	simm.s32 $_size_execute0_lowered;
	s2 =	sadd.s32 s2, s4;
	[dreg:$0x0] =	wrdreg $0x0  }
0xa8: {  	s4 =	sshll.u32 s28, $0x1;
	[dreg:$0x2] =	wrdreg s2  }
0xa9: {  	[dreg:$0x3] =	wrdreg s4  }
0xaa: {  	[dreg:$0x4] =	wrdreg $0xC0  }
0xab: {  	_ =	task [dreg:s6], $0x5FFFF  }
0xac: {  	[dreg:$0x1] =	wrdreg $0xFFFFFFFF  }
0xad: {  	[dreg:$0x0] =	wrdreg $0x60  }
0xae: {  	[dreg:$0x2] =	wrdreg s24  }
0xaf: {  	[dreg:$0x3] =	wrdreg $0x0  }
0xb0: {  	[dreg:$0x4] =	wrdreg $0x9  }
0xb1: {  	_ =	task.clear_ibuf [dreg:s6], $0x5FFFF;
	_ =	strace $0x90000049  }
0xb2: {  	s29 =	simm.s32 $0x9;
	_ =	strace $0x8000004B  }
0xb3: {  	_ =	swait.ge [sflag:s29], $0x1  }
0xb4: {  	[sflag:s29] =	ssyncadd.s32 $0xFFFFFFFF  }
0xb5: {  	_ =	strace $0x9000004B  }
0xb6: {  	_ =	sfence  }
0xb7: {  	s30 =	sld [smem:$0x0];
	_ =	sdelay $0x2  }
0xb8: {  	s31 =	sshll.u32 s1, $0xD;
	s1 =	sshrl.u32 s1, $0x2  }
0xb9: {  	s3 =	sand.u32 $0x4000, s31;
	s1 =	sadd.s32 s1, s30  }
0xba: {  	s0 =	sor.u32 s3, s0;
	s1 =	sshll.u32 s1, $0x11  }
0xbb: {  	s0 =	sor.u32 s1, s0  }
0xbc: {  	s0 =	sadd.s32 $0x8F2B, s0  }
0xbd: {  	[sflag:s0] =	ssyncadd.remote.s32 $0x1  }
0xbe: {  	_ =	sfence.sel $0xFFFF  }
0xbf: {  	[dreg:$0x0] =	wrdreg $0xFFFFFFFF;
	(pc) =	sbr.abs _section_cstart, $3  }
0xc0: {  	[dreg:$0x1] =	wrdreg $0xFFFFFFFF  }
0xc1: {  	_ =	task.clear_ibuf [dreg:s6], $0x2FFFF;
	_ =	strace $0x9FFFFFFF  }
0xc2: {  	(tm) =	ssettm $0x7FFFFFFF  }
0xc3: {  	_ =	shalt  }
tec
execute0_lowered:
.L_overlay_start_1:
0x0: {  	(tag) =	ssettag $0x1  }
0x1: {  	s0 =	rddreg [dreg:$0x0];
	s1 =	srdreg.scid  }
0x2: {  	s2 =	rddreg [dreg:$0x1];
	s20 =	stileid.u32;
	s3 =	simm.s32 $0x0  }
0x3: {  	s19 =	simm.s32 $0x14000;
	s28 =	simm.s32 $0x16700;
	s7 =	smul.u32 $0x14000, s20  }
0x4: {  	s29 =	simm.s32 $0x16780;
	s30 =	simm.s32 $0x0;
	s8 =	smul.u32 $0x50000, s20  }
0x5: {  	s5 =	sand.u32 $0x1, s1;
	[smem:$0x7FF] =	sst s3;
	s10 =	smul.u32 $0x2800, s20  }
0x6: {  	s4 =	sadd.s32 $0xA4200, s0;
	s13 =	sadd.s32 $0x90200, s0;
	s12 =	smul.u32 $0x5000, s20  }
0x7: {  	s14 =	sadd.s32 $0x3A00, s0;
	s26 =	sshll.u32 s20, $0x6;
	s6 =	smul.u32 $0x140000, s5  }
0x8: {  	s20 =	simm.s32 $0x15400;
	s9 =	smul.u32 $0x28000, s5;
	s21 =	ssub.s32 $0x2, s5  }
0x9: {  	_ =	strace $0x8000004A;
	s5 =	smul.u32 $0x50000, s5;
	s11 =	sshrl.u32 s21, $0x1  }
0xa: {  	s22 =	sshrl.u32 s8, $0x2;
	s6 =	sadd.s32 s7, s6;
	s16 =	ssub.s32 s21, s11  }
0xb: {  	s17 =	sadd.s32 s22, s2;
	s23 =	sadd.s32 s10, s9;
	s24 =	sadd.s32 s12, s5  }
0xc: {  	s21 =	simm.s32 $0x80;
	s22 =	simm.s32 $0x16800;
	s6 =	sshrl.u32 s6, $0x3  }
0xd: {  	s25 =	sadd.s32 s4, s23;
	s12 =	sshrl.u32 s24, $0x3;
	s16 =	smax.u32 s16, $0x1  }
0xe: {  	s17 =	sshrl.u32 s17, $0x3;
	s23 =	simm.s32 $0x1A800;
	s24 =	simm.s32 $0x1  }
0xf: {  	s0 =	sadd.s32 s6, s0;
	[dreg:$0x3] =	wrdreg s25;
	s6 =	sor.u32 $0x1C03, s26  }
0x10: {  	s7 =	sadd.s32 s13, s12;
	s31 =	sadd.s32 $0x280, s12;
	s8 =	sadd.s32 s14, s12  }
0x11: {  	s15 =	sadd.s32 $0x500, s12;
	s18 =	sadd.s32 $0x780, s12;
	s25 =	simm.s32 $0x2  }
0x12: {  	s26 =	simm.s32 $0x15380;
	s9 =	sadd.s32 s13, s31;
	s10 =	sadd.s32 s14, s31  }
0x13: {  	s11 =	sadd.s32 s13, s15;
	s12 =	sadd.s32 s14, s15;
	s13 =	sadd.s32 s13, s18  }
0x14: {  	s14 =	sadd.s32 s14, s18;
	s15 =	sadd.s32 $0xF4200, s0;
	s18 =	simm.s32 $0x3  }
.LBB2_1:
0x15: {  	s0 =	rddreg [dreg:$0x3]  }
0x16: {  	[spmem:s17], [sflag:s6] =	dma.local [hbm:s0], $0x2800  }
0x17: {  	_ =	swait.ge [sflag:s18], $0x2800  }
0x18: {  	[sflag:s18] =	ssyncset.done $0x0  }
0x19: {  	[sflag:s18] =	ssyncadd.s32 $0xFFFFD800  }
0x1a: {  	s3 =	simm.s32 $0x0;
	[bflag:$0x0] =	sbarrier.arrive $0xFFFF  }
0x1b: {  	[tilespmem:s19], [sflag:$0x3] =	stream.linear.gather [hbm4b:s7+s3], $0x1400, $0x38;
	[tilespmem:$0x1E800] =	vst v63  }
0x1c: {  	_ =	swait.ge [sflag:s18], $0x1400  }
0x1d: {  	[sflag:s18] =	ssyncset.done $0x0  }
0x1e: {  	[sflag:s18] =	ssyncadd.s32 $0xFFFFEC00  }
0x1f: {  	[tilespmem:s20], [sflag:$0x3] =	stream.linear.gather [hbm4b:s8+s3], $0x1400, $0x38;
	[tilespmem:$0x1E800] =	vst v63  }
0x20: {  	_ =	swait.ge [sflag:s18], $0x1400  }
0x21: {  	[sflag:s18] =	ssyncset.done $0x0  }
0x22: {  	[sflag:s18] =	ssyncadd.s32 $0xFFFFEC00  }
0x23: {  	[tilespmem:s22], [sflag:$0x1] =	stream.indirect.gather [hbm4b:s4+s21], $0x80, s19, s21, $0xb8;
	[tilespmem:$0x1E800] =	vst v63  }
0x24: {  	s5 =	simm.s32 $0x14080  }
0x25: {  	[tilespmem:s23], [sflag:$0x2] =	stream.indirect.gather [hbm4b:s4+s21], $0x80, s5, s21, $0xb8;
	[tilespmem:$0x1E800] =	vst v63  }
0x26: {  	_ =	swait.ge [sflag:s24], $0x4000  }
0x27: {  	[sflag:s24] =	ssyncset.done $0x0  }
0x28: {  	s1 =	simm.s32 $0x15400;
	[sflag:s24] =	ssyncadd.s32 $0xFFFFC000  }
0x29: {  	[spmem:s2] =	stream.indirect.scatter.add.f32 [tilespmem:s22], [sflag:$0x3], $0x80, s1, s21, $0xb8;
	[tilespmem:$0x1E800] =	vst v63  }
0x2a: {  	_ =	swait.ge [sflag:s18], $0x4000  }
0x2b: {  	[sflag:s18] =	ssyncset.done $0x0  }
0x2c: {  	s3 =	simm.s32 $0x14100;
	[sflag:s18] =	ssyncadd.s32 $0xFFFFC000  }
0x2d: {  	[tilespmem:s22], [sflag:$0x1] =	stream.indirect.gather [hbm4b:s4+s21], $0x80, s3, s21, $0xb8;
	[tilespmem:$0x1E800] =	vst v63  }
0x2e: {  	_ =	swait.ge [sflag:s25], $0x4000  }
0x2f: {  	[sflag:s25] =	ssyncset.done $0x0  }
0x30: {  	s5 =	simm.s32 $0x15480;
	[sflag:s25] =	ssyncadd.s32 $0xFFFFC000  }
0x31: {  	[spmem:s2] =	stream.indirect.scatter.add.f32 [tilespmem:s23], [sflag:$0x3], $0x80, s5, s21, $0xb8;
	[tilespmem:$0x1E800] =	vst v63  }
0x32: {  	_ =	swait.ge [sflag:s18], $0x4000  }
0x33: {  	s31 =	simm.s32 $0x100;
	s0 =	simm.s32 $0x800;
	[sflag:s18] =	ssyncset.done $0x0  }
.LBB2_2:
0x34: {  	s1 =	sadd.s32 $0x14080, s31  }
0x35: {  	[sflag:s18] =	ssyncadd.s32 $0xFFFFC000;
	s3 =	smov.u32 s0;
	s5 =	sadd.s32 $0x400, s0  }
0x36: {  	[tilespmem:s23], [sflag:$0x2] =	stream.indirect.gather [hbm4b:s4+s21], $0x80, s1, s21, $0xb8;
	[tilespmem:$0x1E800] =	vst v63  }
0x37: {  	p0 =	sne.s32 s0, $0x4800;
	_ =	swait.ge [sflag:s24], $0x4000  }
0x38: {  	[sflag:s24] =	ssyncset.done $0x0  }
0x39: {  	s0 =	sadd.s32 $0x15400, s31;
	[sflag:s24] =	ssyncadd.s32 $0xFFFFC000  }
0x3a: {  	[spmem:s2] =	stream.indirect.scatter.add.f32 [tilespmem:s22], [sflag:$0x3], $0x80, s0, s21, $0xb8;
	[tilespmem:$0x1E800] =	vst v63  }
0x3b: {  	_ =	swait.ge [sflag:s18], $0x4000  }
0x3c: {  	[sflag:s18] =	ssyncset.done $0x0  }
0x3d: {  	s0 =	sadd.s32 $0x14100, s31;
	[sflag:s18] =	ssyncadd.s32 $0xFFFFC000  }
0x3e: {  	[tilespmem:s22], [sflag:$0x1] =	stream.indirect.gather [hbm4b:s4+s21], $0x80, s0, s21, $0xb8;
	[tilespmem:$0x1E800] =	vst v63  }
0x3f: {  	_ =	swait.ge [sflag:s25], $0x4000  }
.Ltmp0:
0x40: {  	[sflag:s25] =	ssyncset.done $0x0;
	(pc) =	sbr.rel @p0 .LBB2_2-.Ltmp0, $4  }
0x41: {  	s0 =	sadd.s32 $0x15480, s31;
	[sflag:s25] =	ssyncadd.s32 $0xFFFFC000  }
0x42: {  	[spmem:s2] =	stream.indirect.scatter.add.f32 [tilespmem:s23], [sflag:$0x3], $0x80, s0, s21, $0xb8;
	[tilespmem:$0x1E800] =	vst v63  }
0x43: {  	_ =	swait.ge [sflag:s18], $0x4000  }
0x44: {  	s31 =	sshra.s32 s3, $0x2;
	s0 =	smov.u32 s5;
	[sflag:s18] =	ssyncset.done $0x0  }
0x45: {  	s0 =	sadd.s32 $0x14080, s31;
	[sflag:s18] =	ssyncadd.s32 $0xFFFFC000  }
0x46: {  	[tilespmem:s23], [sflag:$0x2] =	stream.indirect.gather [hbm4b:s4+s21], $0x80, s0, s21, $0xb8;
	[tilespmem:$0x1E800] =	vst v63  }
0x47: {  	_ =	swait.ge [sflag:s24], $0x4000  }
0x48: {  	[sflag:s24] =	ssyncset.done $0x0  }
0x49: {  	s3 =	sadd.s32 $0x15400, s31;
	[sflag:s24] =	ssyncadd.s32 $0xFFFFC000  }
0x4a: {  	[spmem:s2] =	stream.indirect.scatter.add.f32 [tilespmem:s22], [sflag:$0x3], $0x80, s3, s21, $0xb8;
	[tilespmem:$0x1E800] =	vst v63  }
0x4b: {  	_ =	swait.ge [sflag:s18], $0x4000  }
0x4c: {  	[sflag:s18] =	ssyncset.done $0x0  }
0x4d: {  	s5 =	sadd.s32 $0x14100, s31;
	[sflag:s18] =	ssyncadd.s32 $0xFFFFC000  }
0x4e: {  	[tilespmem:s22], [sflag:$0x1] =	stream.indirect.gather [hbm4b:s4+s21], $0x80, s5, s21, $0xb8;
	[tilespmem:$0x1E800] =	vst v63  }
0x4f: {  	_ =	swait.ge [sflag:s25], $0x4000  }
0x50: {  	[sflag:s25] =	ssyncset.done $0x0  }
0x51: {  	s1 =	sadd.s32 $0x15480, s31;
	[sflag:s25] =	ssyncadd.s32 $0xFFFFC000  }
0x52: {  	[spmem:s2] =	stream.indirect.scatter.add.f32 [tilespmem:s23], [sflag:$0x3], $0x80, s1, s21, $0xb8;
	[tilespmem:$0x1E800] =	vst v63  }
0x53: {  	_ =	swait.ge [sflag:s18], $0x4000  }
0x54: {  	[sflag:s18] =	ssyncset.done $0x0  }
0x55: {  	[sflag:s18] =	ssyncadd.s32 $0xFFFFC000  }
0x56: {  	[tilespmem:s23], [sflag:$0x2] =	stream.indirect.gather [hbm4b:s4+s21], $0x80, s26, s21, $0xb8;
	[tilespmem:$0x1E800] =	vst v63  }
0x57: {  	_ =	swait.ge [sflag:s24], $0x4000  }
0x58: {  	[sflag:s24] =	ssyncset.done $0x0  }
0x59: {  	[sflag:s24] =	ssyncadd.s32 $0xFFFFC000  }
0x5a: {  	[spmem:s2] =	stream.indirect.scatter.add.f32 [tilespmem:s22], [sflag:$0x3], $0x80, s28, s21, $0xb8;
	[tilespmem:$0x1E800] =	vst v63  }
0x5b: {  	_ =	swait.ge [sflag:s18], $0x4000  }
0x5c: {  	[sflag:s18] =	ssyncset.done $0x0  }
0x5d: {  	[sflag:s18] =	ssyncadd.s32 $0xFFFFC000  }
0x5e: {  	_ =	swait.ge [sflag:s25], $0x4000  }
0x5f: {  	[sflag:s25] =	ssyncset.done $0x0  }
0x60: {  	[sflag:s25] =	ssyncadd.s32 $0xFFFFC000  }
0x61: {  	[spmem:s2] =	stream.indirect.scatter.add.f32 [tilespmem:s23], [sflag:$0x3], $0x80, s29, s21, $0xb8;
	[tilespmem:$0x1E800] =	vst v63  }
0x62: {  	_ =	swait.ge [sflag:s18], $0x4000  }
0x63: {  	[sflag:s18] =	ssyncset.done $0x0  }
0x64: {  	s3 =	simm.s32 $0x0;
	[sflag:s18] =	ssyncadd.s32 $0xFFFFC000  }
0x65: {  	[tilespmem:s19], [sflag:$0x3] =	stream.linear.gather [hbm4b:s9+s3], $0x1400, $0x38;
	[tilespmem:$0x1E800] =	vst v63  }
0x66: {  	_ =	swait.ge [sflag:s18], $0x1400  }
0x67: {  	[sflag:s18] =	ssyncset.done $0x0  }
0x68: {  	[sflag:s18] =	ssyncadd.s32 $0xFFFFEC00  }
0x69: {  	[tilespmem:s20], [sflag:$0x3] =	stream.linear.gather [hbm4b:s10+s3], $0x1400, $0x38;
	[tilespmem:$0x1E800] =	vst v63  }
0x6a: {  	_ =	swait.ge [sflag:s18], $0x1400  }
0x6b: {  	[sflag:s18] =	ssyncset.done $0x0  }
0x6c: {  	[sflag:s18] =	ssyncadd.s32 $0xFFFFEC00  }
0x6d: {  	[tilespmem:s22], [sflag:$0x1] =	stream.indirect.gather [hbm4b:s4+s21], $0x80, s19, s21, $0xb8;
	[tilespmem:$0x1E800] =	vst v63  }
0x6e: {  	s5 =	simm.s32 $0x14080  }
0x6f: {  	[tilespmem:s23], [sflag:$0x2] =	stream.indirect.gather [hbm4b:s4+s21], $0x80, s5, s21, $0xb8;
	[tilespmem:$0x1E800] =	vst v63  }
0x70: {  	_ =	swait.ge [sflag:s24], $0x4000  }
0x71: {  	[sflag:s24] =	ssyncset.done $0x0  }
0x72: {  	s1 =	simm.s32 $0x15400;
	[sflag:s24] =	ssyncadd.s32 $0xFFFFC000  }
0x73: {  	[spmem:s2] =	stream.indirect.scatter.add.f32 [tilespmem:s22], [sflag:$0x3], $0x80, s1, s21, $0xb8;
	[tilespmem:$0x1E800] =	vst v63  }
0x74: {  	_ =	swait.ge [sflag:s18], $0x4000  }
0x75: {  	[sflag:s18] =	ssyncset.done $0x0  }
0x76: {  	s3 =	simm.s32 $0x14100;
	[sflag:s18] =	ssyncadd.s32 $0xFFFFC000  }
0x77: {  	[tilespmem:s22], [sflag:$0x1] =	stream.indirect.gather [hbm4b:s4+s21], $0x80, s3, s21, $0xb8;
	[tilespmem:$0x1E800] =	vst v63  }
0x78: {  	_ =	swait.ge [sflag:s25], $0x4000  }
0x79: {  	[sflag:s25] =	ssyncset.done $0x0  }
0x7a: {  	s5 =	simm.s32 $0x15480;
	[sflag:s25] =	ssyncadd.s32 $0xFFFFC000  }
0x7b: {  	[spmem:s2] =	stream.indirect.scatter.add.f32 [tilespmem:s23], [sflag:$0x3], $0x80, s5, s21, $0xb8;
	[tilespmem:$0x1E800] =	vst v63  }
0x7c: {  	_ =	swait.ge [sflag:s18], $0x4000  }
0x7d: {  	s31 =	simm.s32 $0x100;
	s0 =	simm.s32 $0x800;
	[sflag:s18] =	ssyncset.done $0x0  }
.LBB2_4:
0x7e: {  	s1 =	sadd.s32 $0x14080, s31  }
0x7f: {  	[sflag:s18] =	ssyncadd.s32 $0xFFFFC000;
	s3 =	smov.u32 s0;
	s5 =	sadd.s32 $0x400, s0  }
0x80: {  	[tilespmem:s23], [sflag:$0x2] =	stream.indirect.gather [hbm4b:s4+s21], $0x80, s1, s21, $0xb8;
	[tilespmem:$0x1E800] =	vst v63  }
0x81: {  	p0 =	sne.s32 s0, $0x4800;
	_ =	swait.ge [sflag:s24], $0x4000  }
0x82: {  	[sflag:s24] =	ssyncset.done $0x0  }
0x83: {  	s0 =	sadd.s32 $0x15400, s31;
	[sflag:s24] =	ssyncadd.s32 $0xFFFFC000  }
0x84: {  	[spmem:s2] =	stream.indirect.scatter.add.f32 [tilespmem:s22], [sflag:$0x3], $0x80, s0, s21, $0xb8;
	[tilespmem:$0x1E800] =	vst v63  }
0x85: {  	_ =	swait.ge [sflag:s18], $0x4000  }
0x86: {  	[sflag:s18] =	ssyncset.done $0x0  }
0x87: {  	s0 =	sadd.s32 $0x14100, s31;
	[sflag:s18] =	ssyncadd.s32 $0xFFFFC000  }
0x88: {  	[tilespmem:s22], [sflag:$0x1] =	stream.indirect.gather [hbm4b:s4+s21], $0x80, s0, s21, $0xb8;
	[tilespmem:$0x1E800] =	vst v63  }
0x89: {  	_ =	swait.ge [sflag:s25], $0x4000  }
.Ltmp1:
0x8a: {  	[sflag:s25] =	ssyncset.done $0x0;
	(pc) =	sbr.rel @p0 .LBB2_4-.Ltmp1, $4  }
0x8b: {  	s0 =	sadd.s32 $0x15480, s31;
	[sflag:s25] =	ssyncadd.s32 $0xFFFFC000  }
0x8c: {  	[spmem:s2] =	stream.indirect.scatter.add.f32 [tilespmem:s23], [sflag:$0x3], $0x80, s0, s21, $0xb8;
	[tilespmem:$0x1E800] =	vst v63  }
0x8d: {  	_ =	swait.ge [sflag:s18], $0x4000  }
0x8e: {  	s31 =	sshra.s32 s3, $0x2;
	s0 =	smov.u32 s5;
	[sflag:s18] =	ssyncset.done $0x0  }
0x8f: {  	s0 =	sadd.s32 $0x14080, s31;
	[sflag:s18] =	ssyncadd.s32 $0xFFFFC000  }
0x90: {  	[tilespmem:s23], [sflag:$0x2] =	stream.indirect.gather [hbm4b:s4+s21], $0x80, s0, s21, $0xb8;
	[tilespmem:$0x1E800] =	vst v63  }
0x91: {  	_ =	swait.ge [sflag:s24], $0x4000  }
0x92: {  	[sflag:s24] =	ssyncset.done $0x0  }
0x93: {  	s3 =	sadd.s32 $0x15400, s31;
	[sflag:s24] =	ssyncadd.s32 $0xFFFFC000  }
0x94: {  	[spmem:s2] =	stream.indirect.scatter.add.f32 [tilespmem:s22], [sflag:$0x3], $0x80, s3, s21, $0xb8;
	[tilespmem:$0x1E800] =	vst v63  }
0x95: {  	_ =	swait.ge [sflag:s18], $0x4000  }
0x96: {  	[sflag:s18] =	ssyncset.done $0x0  }
0x97: {  	s5 =	sadd.s32 $0x14100, s31;
	[sflag:s18] =	ssyncadd.s32 $0xFFFFC000  }
0x98: {  	[tilespmem:s22], [sflag:$0x1] =	stream.indirect.gather [hbm4b:s4+s21], $0x80, s5, s21, $0xb8;
	[tilespmem:$0x1E800] =	vst v63  }
0x99: {  	_ =	swait.ge [sflag:s25], $0x4000  }
0x9a: {  	[sflag:s25] =	ssyncset.done $0x0  }
0x9b: {  	s1 =	sadd.s32 $0x15480, s31;
	[sflag:s25] =	ssyncadd.s32 $0xFFFFC000  }
0x9c: {  	[spmem:s2] =	stream.indirect.scatter.add.f32 [tilespmem:s23], [sflag:$0x3], $0x80, s1, s21, $0xb8;
	[tilespmem:$0x1E800] =	vst v63  }
0x9d: {  	_ =	swait.ge [sflag:s18], $0x4000  }
0x9e: {  	[sflag:s18] =	ssyncset.done $0x0  }
0x9f: {  	[sflag:s18] =	ssyncadd.s32 $0xFFFFC000  }
0xa0: {  	[tilespmem:s23], [sflag:$0x2] =	stream.indirect.gather [hbm4b:s4+s21], $0x80, s26, s21, $0xb8;
	[tilespmem:$0x1E800] =	vst v63  }
0xa1: {  	_ =	swait.ge [sflag:s24], $0x4000  }
0xa2: {  	[sflag:s24] =	ssyncset.done $0x0  }
0xa3: {  	[sflag:s24] =	ssyncadd.s32 $0xFFFFC000  }
0xa4: {  	[spmem:s2] =	stream.indirect.scatter.add.f32 [tilespmem:s22], [sflag:$0x3], $0x80, s28, s21, $0xb8;
	[tilespmem:$0x1E800] =	vst v63  }
0xa5: {  	_ =	swait.ge [sflag:s18], $0x4000  }
0xa6: {  	[sflag:s18] =	ssyncset.done $0x0  }
0xa7: {  	[sflag:s18] =	ssyncadd.s32 $0xFFFFC000  }
0xa8: {  	_ =	swait.ge [sflag:s25], $0x4000  }
0xa9: {  	[sflag:s25] =	ssyncset.done $0x0  }
0xaa: {  	[sflag:s25] =	ssyncadd.s32 $0xFFFFC000  }
0xab: {  	[spmem:s2] =	stream.indirect.scatter.add.f32 [tilespmem:s23], [sflag:$0x3], $0x80, s29, s21, $0xb8;
	[tilespmem:$0x1E800] =	vst v63  }
0xac: {  	_ =	swait.ge [sflag:s18], $0x4000  }
0xad: {  	[sflag:s18] =	ssyncset.done $0x0  }
0xae: {  	s3 =	simm.s32 $0x0;
	[sflag:s18] =	ssyncadd.s32 $0xFFFFC000  }
0xaf: {  	[tilespmem:s19], [sflag:$0x3] =	stream.linear.gather [hbm4b:s11+s3], $0x1400, $0x38;
	[tilespmem:$0x1E800] =	vst v63  }
0xb0: {  	_ =	swait.ge [sflag:s18], $0x1400  }
0xb1: {  	[sflag:s18] =	ssyncset.done $0x0  }
0xb2: {  	[sflag:s18] =	ssyncadd.s32 $0xFFFFEC00  }
0xb3: {  	[tilespmem:s20], [sflag:$0x3] =	stream.linear.gather [hbm4b:s12+s3], $0x1400, $0x38;
	[tilespmem:$0x1E800] =	vst v63  }
0xb4: {  	_ =	swait.ge [sflag:s18], $0x1400  }
0xb5: {  	[sflag:s18] =	ssyncset.done $0x0  }
0xb6: {  	[sflag:s18] =	ssyncadd.s32 $0xFFFFEC00  }
0xb7: {  	[tilespmem:s22], [sflag:$0x1] =	stream.indirect.gather [hbm4b:s4+s21], $0x80, s19, s21, $0xb8;
	[tilespmem:$0x1E800] =	vst v63  }
0xb8: {  	s5 =	simm.s32 $0x14080  }
0xb9: {  	[tilespmem:s23], [sflag:$0x2] =	stream.indirect.gather [hbm4b:s4+s21], $0x80, s5, s21, $0xb8;
	[tilespmem:$0x1E800] =	vst v63  }
0xba: {  	_ =	swait.ge [sflag:s24], $0x4000  }
0xbb: {  	[sflag:s24] =	ssyncset.done $0x0  }
0xbc: {  	s1 =	simm.s32 $0x15400;
	[sflag:s24] =	ssyncadd.s32 $0xFFFFC000  }
0xbd: {  	[spmem:s2] =	stream.indirect.scatter.add.f32 [tilespmem:s22], [sflag:$0x3], $0x80, s1, s21, $0xb8;
	[tilespmem:$0x1E800] =	vst v63  }
0xbe: {  	_ =	swait.ge [sflag:s18], $0x4000  }
0xbf: {  	[sflag:s18] =	ssyncset.done $0x0  }
0xc0: {  	s3 =	simm.s32 $0x14100;
	[sflag:s18] =	ssyncadd.s32 $0xFFFFC000  }
0xc1: {  	[tilespmem:s22], [sflag:$0x1] =	stream.indirect.gather [hbm4b:s4+s21], $0x80, s3, s21, $0xb8;
	[tilespmem:$0x1E800] =	vst v63  }
0xc2: {  	_ =	swait.ge [sflag:s25], $0x4000  }
0xc3: {  	[sflag:s25] =	ssyncset.done $0x0  }
0xc4: {  	s5 =	simm.s32 $0x15480;
	[sflag:s25] =	ssyncadd.s32 $0xFFFFC000  }
0xc5: {  	[spmem:s2] =	stream.indirect.scatter.add.f32 [tilespmem:s23], [sflag:$0x3], $0x80, s5, s21, $0xb8;
	[tilespmem:$0x1E800] =	vst v63  }
0xc6: {  	_ =	swait.ge [sflag:s18], $0x4000  }
0xc7: {  	s31 =	simm.s32 $0x100;
	s0 =	simm.s32 $0x800;
	[sflag:s18] =	ssyncset.done $0x0  }
.LBB2_6:
0xc8: {  	s1 =	sadd.s32 $0x14080, s31  }
0xc9: {  	[sflag:s18] =	ssyncadd.s32 $0xFFFFC000;
	s3 =	smov.u32 s0;
	s5 =	sadd.s32 $0x400, s0  }
0xca: {  	[tilespmem:s23], [sflag:$0x2] =	stream.indirect.gather [hbm4b:s4+s21], $0x80, s1, s21, $0xb8;
	[tilespmem:$0x1E800] =	vst v63  }
0xcb: {  	p0 =	sne.s32 s0, $0x4800;
	_ =	swait.ge [sflag:s24], $0x4000  }
0xcc: {  	[sflag:s24] =	ssyncset.done $0x0  }
0xcd: {  	s0 =	sadd.s32 $0x15400, s31;
	[sflag:s24] =	ssyncadd.s32 $0xFFFFC000  }
0xce: {  	[spmem:s2] =	stream.indirect.scatter.add.f32 [tilespmem:s22], [sflag:$0x3], $0x80, s0, s21, $0xb8;
	[tilespmem:$0x1E800] =	vst v63  }
0xcf: {  	_ =	swait.ge [sflag:s18], $0x4000  }
0xd0: {  	[sflag:s18] =	ssyncset.done $0x0  }
0xd1: {  	s0 =	sadd.s32 $0x14100, s31;
	[sflag:s18] =	ssyncadd.s32 $0xFFFFC000  }
0xd2: {  	[tilespmem:s22], [sflag:$0x1] =	stream.indirect.gather [hbm4b:s4+s21], $0x80, s0, s21, $0xb8;
	[tilespmem:$0x1E800] =	vst v63  }
0xd3: {  	_ =	swait.ge [sflag:s25], $0x4000  }
.Ltmp2:
0xd4: {  	[sflag:s25] =	ssyncset.done $0x0;
	(pc) =	sbr.rel @p0 .LBB2_6-.Ltmp2, $4  }
0xd5: {  	s0 =	sadd.s32 $0x15480, s31;
	[sflag:s25] =	ssyncadd.s32 $0xFFFFC000  }
0xd6: {  	[spmem:s2] =	stream.indirect.scatter.add.f32 [tilespmem:s23], [sflag:$0x3], $0x80, s0, s21, $0xb8;
	[tilespmem:$0x1E800] =	vst v63  }
0xd7: {  	_ =	swait.ge [sflag:s18], $0x4000  }
0xd8: {  	s31 =	sshra.s32 s3, $0x2;
	s0 =	smov.u32 s5;
	[sflag:s18] =	ssyncset.done $0x0  }
0xd9: {  	s0 =	sadd.s32 $0x14080, s31;
	[sflag:s18] =	ssyncadd.s32 $0xFFFFC000  }
0xda: {  	[tilespmem:s23], [sflag:$0x2] =	stream.indirect.gather [hbm4b:s4+s21], $0x80, s0, s21, $0xb8;
	[tilespmem:$0x1E800] =	vst v63  }
0xdb: {  	_ =	swait.ge [sflag:s24], $0x4000  }
0xdc: {  	[sflag:s24] =	ssyncset.done $0x0  }
0xdd: {  	s3 =	sadd.s32 $0x15400, s31;
	[sflag:s24] =	ssyncadd.s32 $0xFFFFC000  }
0xde: {  	[spmem:s2] =	stream.indirect.scatter.add.f32 [tilespmem:s22], [sflag:$0x3], $0x80, s3, s21, $0xb8;
	[tilespmem:$0x1E800] =	vst v63  }
0xdf: {  	_ =	swait.ge [sflag:s18], $0x4000  }
0xe0: {  	[sflag:s18] =	ssyncset.done $0x0  }
0xe1: {  	s5 =	sadd.s32 $0x14100, s31;
	[sflag:s18] =	ssyncadd.s32 $0xFFFFC000  }
0xe2: {  	[tilespmem:s22], [sflag:$0x1] =	stream.indirect.gather [hbm4b:s4+s21], $0x80, s5, s21, $0xb8;
	[tilespmem:$0x1E800] =	vst v63  }
0xe3: {  	_ =	swait.ge [sflag:s25], $0x4000  }
0xe4: {  	[sflag:s25] =	ssyncset.done $0x0  }
0xe5: {  	s1 =	sadd.s32 $0x15480, s31;
	[sflag:s25] =	ssyncadd.s32 $0xFFFFC000  }
0xe6: {  	[spmem:s2] =	stream.indirect.scatter.add.f32 [tilespmem:s23], [sflag:$0x3], $0x80, s1, s21, $0xb8;
	[tilespmem:$0x1E800] =	vst v63  }
0xe7: {  	_ =	swait.ge [sflag:s18], $0x4000  }
0xe8: {  	[sflag:s18] =	ssyncset.done $0x0  }
0xe9: {  	[sflag:s18] =	ssyncadd.s32 $0xFFFFC000  }
0xea: {  	[tilespmem:s23], [sflag:$0x2] =	stream.indirect.gather [hbm4b:s4+s21], $0x80, s26, s21, $0xb8;
	[tilespmem:$0x1E800] =	vst v63  }
0xeb: {  	_ =	swait.ge [sflag:s24], $0x4000  }
0xec: {  	[sflag:s24] =	ssyncset.done $0x0  }
0xed: {  	[sflag:s24] =	ssyncadd.s32 $0xFFFFC000  }
0xee: {  	[spmem:s2] =	stream.indirect.scatter.add.f32 [tilespmem:s22], [sflag:$0x3], $0x80, s28, s21, $0xb8;
	[tilespmem:$0x1E800] =	vst v63  }
0xef: {  	_ =	swait.ge [sflag:s18], $0x4000  }
0xf0: {  	[sflag:s18] =	ssyncset.done $0x0  }
0xf1: {  	[sflag:s18] =	ssyncadd.s32 $0xFFFFC000  }
0xf2: {  	_ =	swait.ge [sflag:s25], $0x4000  }
0xf3: {  	[sflag:s25] =	ssyncset.done $0x0  }
0xf4: {  	[sflag:s25] =	ssyncadd.s32 $0xFFFFC000  }
0xf5: {  	[spmem:s2] =	stream.indirect.scatter.add.f32 [tilespmem:s23], [sflag:$0x3], $0x80, s29, s21, $0xb8;
	[tilespmem:$0x1E800] =	vst v63  }
0xf6: {  	_ =	swait.ge [sflag:s18], $0x4000  }
0xf7: {  	[sflag:s18] =	ssyncset.done $0x0  }
0xf8: {  	s3 =	simm.s32 $0x0;
	[sflag:s18] =	ssyncadd.s32 $0xFFFFC000  }
0xf9: {  	[tilespmem:s19], [sflag:$0x3] =	stream.linear.gather [hbm4b:s13+s3], $0x1400, $0x38;
	[tilespmem:$0x1E800] =	vst v63  }
0xfa: {  	_ =	swait.ge [sflag:s18], $0x1400  }
0xfb: {  	[sflag:s18] =	ssyncset.done $0x0  }
0xfc: {  	[sflag:s18] =	ssyncadd.s32 $0xFFFFEC00  }
0xfd: {  	[tilespmem:s20], [sflag:$0x3] =	stream.linear.gather [hbm4b:s14+s3], $0x1400, $0x38;
	[tilespmem:$0x1E800] =	vst v63  }
0xfe: {  	_ =	swait.ge [sflag:s18], $0x1400  }
0xff: {  	[sflag:s18] =	ssyncset.done $0x0  }
0x100: {  	[sflag:s18] =	ssyncadd.s32 $0xFFFFEC00  }
0x101: {  	[tilespmem:s22], [sflag:$0x1] =	stream.indirect.gather [hbm4b:s4+s21], $0x80, s19, s21, $0xb8;
	[tilespmem:$0x1E800] =	vst v63  }
0x102: {  	s5 =	simm.s32 $0x14080  }
0x103: {  	[tilespmem:s23], [sflag:$0x2] =	stream.indirect.gather [hbm4b:s4+s21], $0x80, s5, s21, $0xb8;
	[tilespmem:$0x1E800] =	vst v63  }
0x104: {  	_ =	swait.ge [sflag:s24], $0x4000  }
0x105: {  	[sflag:s24] =	ssyncset.done $0x0  }
0x106: {  	s1 =	simm.s32 $0x15400;
	[sflag:s24] =	ssyncadd.s32 $0xFFFFC000  }
0x107: {  	[spmem:s2] =	stream.indirect.scatter.add.f32 [tilespmem:s22], [sflag:$0x3], $0x80, s1, s21, $0xb8;
	[tilespmem:$0x1E800] =	vst v63  }
0x108: {  	_ =	swait.ge [sflag:s18], $0x4000  }
0x109: {  	[sflag:s18] =	ssyncset.done $0x0  }
0x10a: {  	s3 =	simm.s32 $0x14100;
	[sflag:s18] =	ssyncadd.s32 $0xFFFFC000  }
0x10b: {  	[tilespmem:s22], [sflag:$0x1] =	stream.indirect.gather [hbm4b:s4+s21], $0x80, s3, s21, $0xb8;
	[tilespmem:$0x1E800] =	vst v63  }
0x10c: {  	_ =	swait.ge [sflag:s25], $0x4000  }
0x10d: {  	[sflag:s25] =	ssyncset.done $0x0  }
0x10e: {  	s5 =	simm.s32 $0x15480;
	[sflag:s25] =	ssyncadd.s32 $0xFFFFC000  }
0x10f: {  	[spmem:s2] =	stream.indirect.scatter.add.f32 [tilespmem:s23], [sflag:$0x3], $0x80, s5, s21, $0xb8;
	[tilespmem:$0x1E800] =	vst v63  }
0x110: {  	_ =	swait.ge [sflag:s18], $0x4000  }
0x111: {  	s31 =	simm.s32 $0x100;
	s0 =	simm.s32 $0x800;
	[sflag:s18] =	ssyncset.done $0x0  }
.LBB2_8:
0x112: {  	s1 =	sadd.s32 $0x14080, s31  }
0x113: {  	[sflag:s18] =	ssyncadd.s32 $0xFFFFC000;
	s3 =	smov.u32 s0;
	s5 =	sadd.s32 $0x400, s0  }
0x114: {  	[tilespmem:s23], [sflag:$0x2] =	stream.indirect.gather [hbm4b:s4+s21], $0x80, s1, s21, $0xb8;
	[tilespmem:$0x1E800] =	vst v63  }
0x115: {  	p0 =	sne.s32 s0, $0x4800;
	_ =	swait.ge [sflag:s24], $0x4000  }
0x116: {  	[sflag:s24] =	ssyncset.done $0x0  }
0x117: {  	s0 =	sadd.s32 $0x15400, s31;
	[sflag:s24] =	ssyncadd.s32 $0xFFFFC000  }
0x118: {  	[spmem:s2] =	stream.indirect.scatter.add.f32 [tilespmem:s22], [sflag:$0x3], $0x80, s0, s21, $0xb8;
	[tilespmem:$0x1E800] =	vst v63  }
0x119: {  	_ =	swait.ge [sflag:s18], $0x4000  }
0x11a: {  	[sflag:s18] =	ssyncset.done $0x0  }
0x11b: {  	s0 =	sadd.s32 $0x14100, s31;
	[sflag:s18] =	ssyncadd.s32 $0xFFFFC000  }
0x11c: {  	[tilespmem:s22], [sflag:$0x1] =	stream.indirect.gather [hbm4b:s4+s21], $0x80, s0, s21, $0xb8;
	[tilespmem:$0x1E800] =	vst v63  }
0x11d: {  	_ =	swait.ge [sflag:s25], $0x4000  }
.Ltmp3:
0x11e: {  	[sflag:s25] =	ssyncset.done $0x0;
	(pc) =	sbr.rel @p0 .LBB2_8-.Ltmp3, $4  }
0x11f: {  	s0 =	sadd.s32 $0x15480, s31;
	[sflag:s25] =	ssyncadd.s32 $0xFFFFC000  }
0x120: {  	[spmem:s2] =	stream.indirect.scatter.add.f32 [tilespmem:s23], [sflag:$0x3], $0x80, s0, s21, $0xb8;
	[tilespmem:$0x1E800] =	vst v63  }
0x121: {  	_ =	swait.ge [sflag:s18], $0x4000  }
0x122: {  	s31 =	sshra.s32 s3, $0x2;
	s0 =	smov.u32 s5;
	[sflag:s18] =	ssyncset.done $0x0  }
0x123: {  	s0 =	sadd.s32 $0x14080, s31;
	[sflag:s18] =	ssyncadd.s32 $0xFFFFC000  }
0x124: {  	[tilespmem:s23], [sflag:$0x2] =	stream.indirect.gather [hbm4b:s4+s21], $0x80, s0, s21, $0xb8;
	[tilespmem:$0x1E800] =	vst v63  }
0x125: {  	_ =	swait.ge [sflag:s24], $0x4000  }
0x126: {  	[sflag:s24] =	ssyncset.done $0x0  }
0x127: {  	s3 =	sadd.s32 $0x15400, s31;
	[sflag:s24] =	ssyncadd.s32 $0xFFFFC000  }
0x128: {  	[spmem:s2] =	stream.indirect.scatter.add.f32 [tilespmem:s22], [sflag:$0x3], $0x80, s3, s21, $0xb8;
	[tilespmem:$0x1E800] =	vst v63  }
0x129: {  	_ =	swait.ge [sflag:s18], $0x4000  }
0x12a: {  	[sflag:s18] =	ssyncset.done $0x0  }
0x12b: {  	s5 =	sadd.s32 $0x14100, s31;
	[sflag:s18] =	ssyncadd.s32 $0xFFFFC000  }
0x12c: {  	[tilespmem:s22], [sflag:$0x1] =	stream.indirect.gather [hbm4b:s4+s21], $0x80, s5, s21, $0xb8;
	[tilespmem:$0x1E800] =	vst v63  }
0x12d: {  	_ =	swait.ge [sflag:s25], $0x4000  }
0x12e: {  	[sflag:s25] =	ssyncset.done $0x0  }
0x12f: {  	s31 =	sadd.s32 $0x15480, s31;
	[sflag:s25] =	ssyncadd.s32 $0xFFFFC000  }
0x130: {  	[spmem:s2] =	stream.indirect.scatter.add.f32 [tilespmem:s23], [sflag:$0x3], $0x80, s31, s21, $0xb8;
	[tilespmem:$0x1E800] =	vst v63  }
0x131: {  	_ =	swait.ge [sflag:s18], $0x4000  }
0x132: {  	[sflag:s18] =	ssyncset.done $0x0  }
0x133: {  	[sflag:s18] =	ssyncadd.s32 $0xFFFFC000  }
0x134: {  	[tilespmem:s23], [sflag:$0x2] =	stream.indirect.gather [hbm4b:s4+s21], $0x80, s26, s21, $0xb8;
	[tilespmem:$0x1E800] =	vst v63  }
0x135: {  	_ =	swait.ge [sflag:s24], $0x4000  }
0x136: {  	[sflag:s24] =	ssyncset.done $0x0  }
0x137: {  	[sflag:s24] =	ssyncadd.s32 $0xFFFFC000  }
0x138: {  	[spmem:s2] =	stream.indirect.scatter.add.f32 [tilespmem:s22], [sflag:$0x3], $0x80, s28, s21, $0xb8;
	[tilespmem:$0x1E800] =	vst v63  }
0x139: {  	_ =	swait.ge [sflag:s18], $0x4000  }
0x13a: {  	[sflag:s18] =	ssyncset.done $0x0  }
0x13b: {  	[sflag:s18] =	ssyncadd.s32 $0xFFFFC000  }
0x13c: {  	_ =	swait.ge [sflag:s25], $0x4000  }
0x13d: {  	[sflag:s25] =	ssyncset.done $0x0  }
0x13e: {  	[sflag:s25] =	ssyncadd.s32 $0xFFFFC000  }
0x13f: {  	[spmem:s2] =	stream.indirect.scatter.add.f32 [tilespmem:s23], [sflag:$0x3], $0x80, s29, s21, $0xb8;
	[tilespmem:$0x1E800] =	vst v63  }
0x140: {  	_ =	swait.ge [sflag:s18], $0x4000  }
0x141: {  	s30 =	sadd.s32 $0x1, s30;
	[sflag:s18] =	ssyncset.done $0x0  }
0x142: {  	p0 =	sne.s32 s30, s16;
	[sflag:s18] =	ssyncadd.s32 $0xFFFFC000  }
.Ltmp4:
0x143: {  	[bflag:$0x0] =	sbarrier.arrive $0xFFFF;
	(pc) =	sbr.rel @p0 .LBB2_1-.Ltmp4, $4  }
0x144: {  	[hbm:s15], [sflag:s6] =	dma.local [spmem:s17], $0x2800  }
0x145: {  	_ =	swait.ge [sflag:s18], $0x2800  }
0x146: {  	[sflag:s18] =	ssyncset.done $0x0  }
0x147: {  	[sflag:s18] =	ssyncadd.s32 $0xFFFFD800  }
0x148: {  	_ =	sfence.sel $0x180000  }
0x149: {  	[bflag:$0x0] =	sbarrier.arrive $0xFFFF  }
0x14a: {  	_ =	strace $0x9000004A  }
0x14b: {  	s0 =	stileid.u32;
	[bflag:$0x2] =	sbarrier.arrive $0xFFFF  }
0x14c: {  	p0 =	sne.s32 s0, $0x0;
	s0 =	rddreg [dreg:$0x2]  }
0x14d: {  	s0 =	sadd.s32 @!p0 $0x100000, s0  }
0x14e: {  	[sflag:s0] =	ssyncadd.tile.s32 @!p0 $0x1;
	_ =	shalt  }
.Lfunc_end2:
_tile_overlayer_lowered:
.L_overlay_start_2:
0x14f: {  	(tag) =	ssettag $0x2  }
0x150: {  	s0 =	rddreg [dreg:$0x0];
	s2 =	stileid.u32  }
0x151: {  	s1 =	rddreg [dreg:$0x1];
	p0 =	sne.s32 s2, $0x0  }
0x152: {  	s3 =	rddreg [dreg:$0x2];
	[bflag:$0x3] =	sbarrier.arrive $0xFFFF;
	s2 =	simm.s32 @!p0 $0x1C03  }
0x153: {  	[timem:s3], [sflag:s2] =	dma.local @!p0 [hbm:s0], s1  }
0x154: {  	s0 =	simm.s32 @!p0 $0x3  }
0x155: {  	_ =	swait.ge @!p0 [sflag:s0], s1  }
0x156: {  	s1 =	ssub.s32 @!p0 $0x0, s1;
	[sflag:s0] =	ssyncset.done @!p0 $0x0  }
0x157: {  	[sflag:s0] =	ssyncadd.s32 @!p0 s1  }
0x158: {  	[bflag:$0x3] =	sbarrier.arrive $0xFFFF  }
0x159: {  	_ =	shalt  }

</sc_bundles>
